<compile_context>
chip_gen: v7x
topology: tpu7x:2x2x1
jax: 0.10.2.dev20260603
libtpu: 0.0.44.dev20260713+nightly
codegen_flags: <defaults>
</compile_context>

<pallas_src>
import functools
import math

import jax
import jax.numpy as jnp
from jax import lax
from jax.experimental import pallas as pl
from jax.experimental.pallas import tpu as pltpu
from jax.experimental.pallas import tpu_sc as plsc

_D = 64
_SCALE = math.sqrt(float(_D))
_NC, _NS = 2, 16
_NW = _NC * _NS
_CH = 128
_L = 16


def _scale_buf(buf, rows):
    rows_per_iter = 4

    def body(i, carry):
        for rr in range(rows_per_iter):
            r = i * rows_per_iter + rr
            for k in range(_D // _L):
                sl = pl.ds(k * _L, _L)
                buf[r, sl] = buf[r, sl] * _SCALE
        return carry

    lax.fori_loop(0, rows // rows_per_iter, body, 0)


def _make_embed(B, nch):
    @functools.partial(
        pl.kernel,
        out_type=jax.ShapeDtypeStruct((B, _D), jnp.float32),
        mesh=plsc.VectorSubcoreMesh(core_axis_name="c", subcore_axis_name="s"),
        compiler_params=pltpu.CompilerParams(use_tc_tiling_on_sc=False),
        scratch_types=[
            pltpu.VMEM((nch, _CH), jnp.int32),
            pltpu.VMEM((_CH, _D), jnp.float32),
            pltpu.VMEM((_CH, _D), jnp.float32),
            pltpu.SemaphoreType.DMA,
            pltpu.SemaphoreType.DMA,
        ],
    )
    def emb(x_hbm, table, out_hbm, idx_v, buf0, buf1, sem0, sem1):
        bpw = nch * _CH
        wid = lax.axis_index("s") * _NC + lax.axis_index("c")
        base = wid * bpw
        pltpu.sync_copy(x_hbm.at[wid], idx_v)
        bufs = (buf0, buf1)
        sems = (sem0, sem1)

        pltpu.async_copy(table.at[idx_v.at[0]], buf0, sem0)

        def outer(i, carry):
            for b in range(2):
                c = i * 2 + b
                nxt = c + 1
                nb = (b + 1) % 2

                @pl.when(nxt < nch)
                def _():
                    pltpu.async_copy(table.at[idx_v.at[nxt]], bufs[nb], sems[nb])

                pltpu.make_async_copy(table.at[idx_v.at[c]], bufs[b], sems[b]).wait()
                _scale_buf(bufs[b], _CH)
                pltpu.sync_copy(bufs[b], out_hbm.at[pl.ds(base + c * _CH, _CH)])
            return carry

        lax.fori_loop(0, nch // 2, outer, 0)

    return emb


def kernel(x, W):
    S, T = x.shape
    B = S * T
    assert B % (_NW * _CH) == 0
    nch = B // (_NW * _CH)
    idx = x.reshape(_NW, nch, _CH)
    out = _make_embed(B, nch)(idx, W)
    return out.reshape(S, T, _D)

# --- scband reference (transcript-rebuilt; emitter-appended) ---
"""Pipeline reference for scband-word-embedding-86973087744685 (READ-ONLY COPY).

The authoritative reference and input builder live on the scoring server;
editing this copy changes nothing except your own understanding.
"""

import jax, jax.numpy as jnp
import numpy as np
import math

VOCAB = 1000000
D_MODEL = 64

def setup_inputs(seed: int = 0) -> dict:
    key = jax.random.key(seed)
    k1, k2 = jax.random.split(key)
    x = jax.random.randint(k1, (4096, 50), 0, VOCAB, dtype=jnp.int32)
    # xavier_uniform_ init: a = sqrt(6 / (fan_in + fan_out)) = sqrt(6 / (vocab + d_model))
    a = math.sqrt(6.0 / (VOCAB + D_MODEL))
    W = jax.random.uniform(k2, (VOCAB, D_MODEL), minval=-a, maxval=a, dtype=jnp.float32)
    return {"x": x, "W": W}

def reference(x, W):
    # embedding lookup followed by sqrt(d_model) scaling
    return jnp.take(W, x, axis=0) * math.sqrt(float(D_MODEL))

if __name__ == "__main__":
    import jax
    _d = setup_inputs()
    print(jax.jit(kernel)(*tuple(_d.values())))

</pallas_src>

<mosaic_0001>
#map = affine_map<(d0, d1) -> (0, 0, 0)>
#map1 = affine_map<(d0, d1) -> (0, 0)>
module attributes {stable_mosaic.version = 14 : i64} {
  func.func @emb(%arg0: i32, %arg1: i32, %arg2: memref<32x50x128xi32, #tpu.memory_space<hbm>>, %arg3: memref<1000000x64xf32, #tpu.memory_space<hbm>>, %arg4: memref<204800x64xf32, #tpu.memory_space<hbm>>, %arg5: memref<50x128xi32, #tpu.memory_space<vmem>>, %arg6: memref<128x64xf32, #tpu.memory_space<vmem>>, %arg7: memref<128x64xf32, #tpu.memory_space<vmem>>, %arg8: memref<!tpu.dma_semaphore, #tpu.memory_space<semaphore_mem>>, %arg9: memref<!tpu.dma_semaphore, #tpu.memory_space<semaphore_mem>>) attributes {dimension_semantics = [#tpu.dimension_semantics<core_parallel>, #tpu.dimension_semantics<subcore_parallel>], iteration_bounds = array<i64: 2, 16>, scalar_prefetch = 0 : i64, scratch_operands = 5 : i64, tpu.core_type = #tpu.core_type<sc_vector_subcore>, window_params = [{transform_indices = #map}, {transform_indices = #map1}, {transform_indices = #map1}]} {
    %mul3A = arith.constant 2 : i32
    %mul3A_0 = arith.muli %arg1, %mul3A : i32
    %add3A = arith.addi %mul3A_0, %arg0 : i32
    %mul3A_1 = arith.constant 6400 : i32
    %mul3A_2 = arith.muli %add3A, %mul3A_1 : i32
    "tpu.region"() ({
      %run_scoped3A = tpu.sem_alloc : memref<!tpu.dma_semaphore, #tpu.memory_space<semaphore_mem>>
      %dma_start3A_14 = arith.constant 0 : i32
      %dma_start3A_15 = arith.constant 0 : i32
      %dma_start3A_16 = tpu.memref_slice %arg2[%add3A, %dma_start3A_14, %dma_start3A_15] : memref<32x50x128xi32, #tpu.memory_space<hbm>> -> memref<1x50x128xi32, #tpu.memory_space<hbm>>
      %dma_start3A_17 = tpu.memref_squeeze %dma_start3A_16 : memref<1x50x128xi32, #tpu.memory_space<hbm>> -> memref<50x128xi32, #tpu.memory_space<hbm>>
      %dma_start3A_18 = arith.constant 0 : i32
      %dma_start3A_19 = arith.constant 0 : i32
      %dma_start3A_20 = tpu.memref_slice %arg2[%add3A, %dma_start3A_18, %dma_start3A_19] : memref<32x50x128xi32, #tpu.memory_space<hbm>> -> memref<1x50x128xi32, #tpu.memory_space<hbm>>
      %dma_start3A_21 = tpu.memref_squeeze %dma_start3A_20 : memref<1x50x128xi32, #tpu.memory_space<hbm>> -> memref<50x128xi32, #tpu.memory_space<hbm>>
      tpu.enqueue_dma source(%dma_start3A_21 : memref<50x128xi32, #tpu.memory_space<hbm>>) target(%arg5 : memref<50x128xi32, #tpu.memory_space<vmem>>) target_semaphore(%run_scoped3A : memref<!tpu.dma_semaphore, #tpu.memory_space<semaphore_mem>>)
      %dma_wait3A = arith.constant 0 : i32
      %dma_wait3A_22 = arith.constant 0 : i32
      %dma_wait3A_23 = tpu.memref_slice %arg2[%add3A, %dma_wait3A, %dma_wait3A_22] : memref<32x50x128xi32, #tpu.memory_space<hbm>> -> memref<1x50x128xi32, #tpu.memory_space<hbm>>
      %dma_wait3A_24 = tpu.memref_squeeze %dma_wait3A_23 : memref<1x50x128xi32, #tpu.memory_space<hbm>> -> memref<50x128xi32, #tpu.memory_space<hbm>>
      %dma_wait3A_25 = arith.constant 0 : i32
      %dma_wait3A_26 = arith.constant 0 : i32
      %dma_wait3A_27 = tpu.memref_slice %arg2[%add3A, %dma_wait3A_25, %dma_wait3A_26] : memref<32x50x128xi32, #tpu.memory_space<hbm>> -> memref<1x50x128xi32, #tpu.memory_space<hbm>>
      %dma_wait3A_28 = tpu.memref_squeeze %dma_wait3A_27 : memref<1x50x128xi32, #tpu.memory_space<hbm>> -> memref<50x128xi32, #tpu.memory_space<hbm>>
      tpu.wait_dma2 semaphore(%run_scoped3A : memref<!tpu.dma_semaphore, #tpu.memory_space<semaphore_mem>>) src(%dma_wait3A_28 : memref<50x128xi32, #tpu.memory_space<hbm>>) dst(%arg5 : memref<50x128xi32, #tpu.memory_space<vmem>>)
      tpu.yield
    }) : () -> ()
    %dma_start3A = arith.constant 0 : i32
    %dma_start3A_3 = arith.constant 0 : i32
    %dma_start3A_4 = tpu.memref_slice %arg5[%dma_start3A, %dma_start3A_3] : memref<50x128xi32, #tpu.memory_space<vmem>> -> memref<1x128xi32, #tpu.memory_space<vmem>>
    %dma_start3A_5 = tpu.memref_squeeze %dma_start3A_4 : memref<1x128xi32, #tpu.memory_space<vmem>> -> memref<128xi32, #tpu.memory_space<vmem>>
    %dma_start3A_6 = arith.constant 0 : i32
    %dma_start3A_7 = arith.constant 0 : i32
    %dma_start3A_8 = tpu.memref_slice %arg3[%dma_start3A_6, %dma_start3A_7] : memref<1000000x64xf32, #tpu.memory_space<hbm>> -> memref<1000000x64xf32, #tpu.memory_space<hbm>>
    tpu.enqueue_indirect_dma source(%dma_start3A_8 : memref<1000000x64xf32, #tpu.memory_space<hbm>>) target(%arg6 : memref<128x64xf32, #tpu.memory_space<vmem>>) offsets(%dma_start3A_5 : memref<128xi32, #tpu.memory_space<vmem>>) semaphore(%arg8 : memref<!tpu.dma_semaphore, #tpu.memory_space<semaphore_mem>>)
    %scan3A = arith.constant 0 : i32
    %scan3A_9 = arith.constant 0 : i32
    %scan3A_10 = arith.constant 25 : i32
    %scan3A_11 = arith.addi %scan3A_9, %scan3A_10 : i32
    %scan3A_12 = arith.constant 1 : i32
    scf.for %scan3A_14 = %scan3A_9 to %scan3A_11 step %scan3A_12  : i32 {
      %mul3A_15 = arith.constant 2 : i32
      %mul3A_16 = arith.muli %scan3A_14, %mul3A_15 : i32
      %add3A_17 = arith.constant 0 : i32
      %add3A_18 = arith.addi %mul3A_16, %add3A_17 : i32
      %add3A_19 = arith.constant 1 : i32
      %add3A_20 = arith.addi %add3A_18, %add3A_19 : i32
      %lt3A = arith.constant 50 : i32
      %lt3A_21 = arith.cmpi slt, %add3A_20, %lt3A : i32
      %convert_element_type3A = arith.extui %lt3A_21 : i1 to i32
      %cond3A = arith.constant 0 : i32
      %cond3A_22 = arith.cmpi ne, %convert_element_type3A, %cond3A : i32
      scf.if %cond3A_22 {
        %dma_start3A_63 = arith.constant 0 : i32
        %dma_start3A_64 = tpu.memref_slice %arg5[%add3A_20, %dma_start3A_63] : memref<50x128xi32, #tpu.memory_space<vmem>> -> memref<1x128xi32, #tpu.memory_space<vmem>>
        %dma_start3A_65 = tpu.memref_squeeze %dma_start3A_64 : memref<1x128xi32, #tpu.memory_space<vmem>> -> memref<128xi32, #tpu.memory_space<vmem>>
        %dma_start3A_66 = arith.constant 0 : i32
        %dma_start3A_67 = arith.constant 0 : i32
        %dma_start3A_68 = tpu.memref_slice %arg3[%dma_start3A_66, %dma_start3A_67] : memref<1000000x64xf32, #tpu.memory_space<hbm>> -> memref<1000000x64xf32, #tpu.memory_space<hbm>>
        tpu.enqueue_indirect_dma source(%dma_start3A_68 : memref<1000000x64xf32, #tpu.memory_space<hbm>>) target(%arg7 : memref<128x64xf32, #tpu.memory_space<vmem>>) offsets(%dma_start3A_65 : memref<128xi32, #tpu.memory_space<vmem>>) semaphore(%arg9 : memref<!tpu.dma_semaphore, #tpu.memory_space<semaphore_mem>>)
      } else {
      }
      %dma_wait3A = arith.constant 0 : i32
      %dma_wait3A_23 = tpu.memref_slice %arg5[%add3A_18, %dma_wait3A] : memref<50x128xi32, #tpu.memory_space<vmem>> -> memref<1x128xi32, #tpu.memory_space<vmem>>
      %dma_wait3A_24 = tpu.memref_squeeze %dma_wait3A_23 : memref<1x128xi32, #tpu.memory_space<vmem>> -> memref<128xi32, #tpu.memory_space<vmem>>
      %dma_wait3A_25 = arith.constant 0 : i32
      %dma_wait3A_26 = arith.constant 0 : i32
      %dma_wait3A_27 = tpu.memref_slice %arg3[%dma_wait3A_25, %dma_wait3A_26] : memref<1000000x64xf32, #tpu.memory_space<hbm>> -> memref<1000000x64xf32, #tpu.memory_space<hbm>>
      tpu.wait_indirect_dma semaphore(%arg8 : memref<!tpu.dma_semaphore, #tpu.memory_space<semaphore_mem>>) src(%dma_wait3A_27 : memref<1000000x64xf32, #tpu.memory_space<hbm>>) dst(%arg6 : memref<128x64xf32, #tpu.memory_space<vmem>>)
      %scan3A_28 = arith.constant 0 : i32
      %scan3A_29 = arith.constant 0 : i32
      %scan3A_30 = arith.constant 32 : i32
      %scan3A_31 = arith.addi %scan3A_29, %scan3A_30 : i32
      %scan3A_32 = arith.constant 1 : i32
      scf.for %scan3A_63 = %scan3A_29 to %scan3A_31 step %scan3A_32  : i32 {
        %mul3A_64 = arith.constant 4 : i32
        %mul3A_65 = arith.muli %scan3A_63, %mul3A_64 : i32
        %add3A_66 = arith.constant 0 : i32
        %add3A_67 = arith.addi %mul3A_65, %add3A_66 : i32
        %get3A = arith.index_cast %add3A_67 : i32 to index
        %get3A_68 = arith.constant 0 : index
        %get3A_69 = tpu.vector_load %arg6[%get3A, %get3A_68] {strides = array<i32>} : memref<128x64xf32, #tpu.memory_space<vmem>>, vector<1x16xf32>,
        %get3A_70 = vector.shape_cast %get3A_69 : vector<1x16xf32> to vector<16xf32>
        %mul3A_71 = arith.constant 8.000000e+00 : f32
        %mul3A_72 = vector.broadcast %mul3A_71 : f32 to vector<16xf32>
        %mul3A_73 = arith.mulf %get3A_70, %mul3A_72 : vector<16xf32>
        %swap3A = arith.index_cast %add3A_67 : i32 to index
        %swap3A_74 = arith.constant 0 : index
        %swap3A_75 = tpu.vector_load %arg6[%swap3A, %swap3A_74] {strides = array<i32>} : memref<128x64xf32, #tpu.memory_space<vmem>>, vector<1x16xf32>,
        %swap3A_76 = vector.shape_cast %swap3A_75 : vector<1x16xf32> to vector<16xf32>
        %swap3A_77 = vector.shape_cast %mul3A_73 : vector<16xf32> to vector<1x16xf32>
        tpu.vector_store %arg6[%swap3A, %swap3A_74], %swap3A_77 {strides = array<i32>} : memref<128x64xf32, #tpu.memory_space<vmem>>, vector<1x16xf32>,
        %get3A_78 = arith.index_cast %add3A_67 : i32 to index
        %get3A_79 = arith.constant 16 : index
        %get3A_80 = tpu.vector_load %arg6[%get3A_78, %get3A_79] {strides = array<i32>} : memref<128x64xf32, #tpu.memory_space<vmem>>, vector<1x16xf32>,
        %get3A_81 = vector.shape_cast %get3A_80 : vector<1x16xf32> to vector<16xf32>
        %mul3A_82 = arith.constant 8.000000e+00 : f32
        %mul3A_83 = vector.broadcast %mul3A_82 : f32 to vector<16xf32>
        %mul3A_84 = arith.mulf %get3A_81, %mul3A_83 : vector<16xf32>
        %swap3A_85 = arith.index_cast %add3A_67 : i32 to index
        %swap3A_86 = arith.constant 16 : index
        %swap3A_87 = tpu.vector_load %arg6[%swap3A_85, %swap3A_86] {strides = array<i32>} : memref<128x64xf32, #tpu.memory_space<vmem>>, vector<1x16xf32>,
        %swap3A_88 = vector.shape_cast %swap3A_87 : vector<1x16xf32> to vector<16xf32>
        %swap3A_89 = vector.shape_cast %mul3A_84 : vector<16xf32> to vector<1x16xf32>
        tpu.vector_store %arg6[%swap3A_85, %swap3A_86], %swap3A_89 {strides = array<i32>} : memref<128x64xf32, #tpu.memory_space<vmem>>, vector<1x16xf32>,
        %get3A_90 = arith.index_cast %add3A_67 : i32 to index
        %get3A_91 = arith.constant 32 : index
        %get3A_92 = tpu.vector_load %arg6[%get3A_90, %get3A_91] {strides = array<i32>} : memref<128x64xf32, #tpu.memory_space<vmem>>, vector<1x16xf32>,
        %get3A_93 = vector.shape_cast %get3A_92 : vector<1x16xf32> to vector<16xf32>
        %mul3A_94 = arith.constant 8.000000e+00 : f32
        %mul3A_95 = vector.broadcast %mul3A_94 : f32 to vector<16xf32>
        %mul3A_96 = arith.mulf %get3A_93, %mul3A_95 : vector<16xf32>
        %swap3A_97 = arith.index_cast %add3A_67 : i32 to index
        %swap3A_98 = arith.constant 32 : index
        %swap3A_99 = tpu.vector_load %arg6[%swap3A_97, %swap3A_98] {strides = array<i32>} : memref<128x64xf32, #tpu.memory_space<vmem>>, vector<1x16xf32>,
        %swap3A_100 = vector.shape_cast %swap3A_99 : vector<1x16xf32> to vector<16xf32>
        %swap3A_101 = vector.shape_cast %mul3A_96 : vector<16xf32> to vector<1x16xf32>
        tpu.vector_store %arg6[%swap3A_97, %swap3A_98], %swap3A_101 {strides = array<i32>} : memref<128x64xf32, #tpu.memory_space<vmem>>, vector<1x16xf32>,
        %get3A_102 = arith.index_cast %add3A_67 : i32 to index
        %get3A_103 = arith.constant 48 : index
        %get3A_104 = tpu.vector_load %arg6[%get3A_102, %get3A_103] {strides = array<i32>} : memref<128x64xf32, #tpu.memory_space<vmem>>, vector<1x16xf32>,
        %get3A_105 = vector.shape_cast %get3A_104 : vector<1x16xf32> to vector<16xf32>
        %mul3A_106 = arith.constant 8.000000e+00 : f32
        %mul3A_107 = vector.broadcast %mul3A_106 : f32 to vector<16xf32>
        %mul3A_108 = arith.mulf %get3A_105, %mul3A_107 : vector<16xf32>
        %swap3A_109 = arith.index_cast %add3A_67 : i32 to index
        %swap3A_110 = arith.constant 48 : index
        %swap3A_111 = tpu.vector_load %arg6[%swap3A_109, %swap3A_110] {strides = array<i32>} : memref<128x64xf32, #tpu.memory_space<vmem>>, vector<1x16xf32>,
        %swap3A_112 = vector.shape_cast %swap3A_111 : vector<1x16xf32> to vector<16xf32>
        %swap3A_113 = vector.shape_cast %mul3A_108 : vector<16xf32> to vector<1x16xf32>
        tpu.vector_store %arg6[%swap3A_109, %swap3A_110], %swap3A_113 {strides = array<i32>} : memref<128x64xf32, #tpu.memory_space<vmem>>, vector<1x16xf32>,
        %mul3A_114 = arith.constant 4 : i32
        %mul3A_115 = arith.muli %scan3A_63, %mul3A_114 : i32
        %add3A_116 = arith.constant 1 : i32
        %add3A_117 = arith.addi %mul3A_115, %add3A_116 : i32
        %get3A_118 = arith.index_cast %add3A_117 : i32 to index
        %get3A_119 = arith.constant 0 : index
        %get3A_120 = tpu.vector_load %arg6[%get3A_118, %get3A_119] {strides = array<i32>} : memref<128x64xf32, #tpu.memory_space<vmem>>, vector<1x16xf32>,
        %get3A_121 = vector.shape_cast %get3A_120 : vector<1x16xf32> to vector<16xf32>
        %mul3A_122 = arith.constant 8.000000e+00 : f32
        %mul3A_123 = vector.broadcast %mul3A_122 : f32 to vector<16xf32>
        %mul3A_124 = arith.mulf %get3A_121, %mul3A_123 : vector<16xf32>
        %swap3A_125 = arith.index_cast %add3A_117 : i32 to index
        %swap3A_126 = arith.constant 0 : index
        %swap3A_127 = tpu.vector_load %arg6[%swap3A_125, %swap3A_126] {strides = array<i32>} : memref<128x64xf32, #tpu.memory_space<vmem>>, vector<1x16xf32>,
        %swap3A_128 = vector.shape_cast %swap3A_127 : vector<1x16xf32> to vector<16xf32>
        %swap3A_129 = vector.shape_cast %mul3A_124 : vector<16xf32> to vector<1x16xf32>
        tpu.vector_store %arg6[%swap3A_125, %swap3A_126], %swap3A_129 {strides = array<i32>} : memref<128x64xf32, #tpu.memory_space<vmem>>, vector<1x16xf32>,
        %get3A_130 = arith.index_cast %add3A_117 : i32 to index
        %get3A_131 = arith.constant 16 : index
        %get3A_132 = tpu.vector_load %arg6[%get3A_130, %get3A_131] {strides = array<i32>} : memref<128x64xf32, #tpu.memory_space<vmem>>, vector<1x16xf32>,
        %get3A_133 = vector.shape_cast %get3A_132 : vector<1x16xf32> to vector<16xf32>
        %mul3A_134 = arith.constant 8.000000e+00 : f32
        %mul3A_135 = vector.broadcast %mul3A_134 : f32 to vector<16xf32>
        %mul3A_136 = arith.mulf %get3A_133, %mul3A_135 : vector<16xf32>
        %swap3A_137 = arith.index_cast %add3A_117 : i32 to index
        %swap3A_138 = arith.constant 16 : index
        %swap3A_139 = tpu.vector_load %arg6[%swap3A_137, %swap3A_138] {strides = array<i32>} : memref<128x64xf32, #tpu.memory_space<vmem>>, vector<1x16xf32>,
        %swap3A_140 = vector.shape_cast %swap3A_139 : vector<1x16xf32> to vector<16xf32>
        %swap3A_141 = vector.shape_cast %mul3A_136 : vector<16xf32> to vector<1x16xf32>
        tpu.vector_store %arg6[%swap3A_137, %swap3A_138], %swap3A_141 {strides = array<i32>} : memref<128x64xf32, #tpu.memory_space<vmem>>, vector<1x16xf32>,
        %get3A_142 = arith.index_cast %add3A_117 : i32 to index
        %get3A_143 = arith.constant 32 : index
        %get3A_144 = tpu.vector_load %arg6[%get3A_142, %get3A_143] {strides = array<i32>} : memref<128x64xf32, #tpu.memory_space<vmem>>, vector<1x16xf32>,
        %get3A_145 = vector.shape_cast %get3A_144 : vector<1x16xf32> to vector<16xf32>
        %mul3A_146 = arith.constant 8.000000e+00 : f32
        %mul3A_147 = vector.broadcast %mul3A_146 : f32 to vector<16xf32>
        %mul3A_148 = arith.mulf %get3A_145, %mul3A_147 : vector<16xf32>
        %swap3A_149 = arith.index_cast %add3A_117 : i32 to index
        %swap3A_150 = arith.constant 32 : index
        %swap3A_151 = tpu.vector_load %arg6[%swap3A_149, %swap3A_150] {strides = array<i32>} : memref<128x64xf32, #tpu.memory_space<vmem>>, vector<1x16xf32>,
        %swap3A_152 = vector.shape_cast %swap3A_151 : vector<1x16xf32> to vector<16xf32>
        %swap3A_153 = vector.shape_cast %mul3A_148 : vector<16xf32> to vector<1x16xf32>
        tpu.vector_store %arg6[%swap3A_149, %swap3A_150], %swap3A_153 {strides = array<i32>} : memref<128x64xf32, #tpu.memory_space<vmem>>, vector<1x16xf32>,
        %get3A_154 = arith.index_cast %add3A_117 : i32 to index
        %get3A_155 = arith.constant 48 : index
        %get3A_156 = tpu.vector_load %arg6[%get3A_154, %get3A_155] {strides = array<i32>} : memref<128x64xf32, #tpu.memory_space<vmem>>, vector<1x16xf32>,
        %get3A_157 = vector.shape_cast %get3A_156 : vector<1x16xf32> to vector<16xf32>
        %mul3A_158 = arith.constant 8.000000e+00 : f32
        %mul3A_159 = vector.broadcast %mul3A_158 : f32 to vector<16xf32>
        %mul3A_160 = arith.mulf %get3A_157, %mul3A_159 : vector<16xf32>
        %swap3A_161 = arith.index_cast %add3A_117 : i32 to index
        %swap3A_162 = arith.constant 48 : index
        %swap3A_163 = tpu.vector_load %arg6[%swap3A_161, %swap3A_162] {strides = array<i32>} : memref<128x64xf32, #tpu.memory_space<vmem>>, vector<1x16xf32>,
        %swap3A_164 = vector.shape_cast %swap3A_163 : vector<1x16xf32> to vector<16xf32>
        %swap3A_165 = vector.shape_cast %mul3A_160 : vector<16xf32> to vector<1x16xf32>
        tpu.vector_store %arg6[%swap3A_161, %swap3A_162], %swap3A_165 {strides = array<i32>} : memref<128x64xf32, #tpu.memory_space<vmem>>, vector<1x16xf32>,
        %mul3A_166 = arith.constant 4 : i32
        %mul3A_167 = arith.muli %scan3A_63, %mul3A_166 : i32
        %add3A_168 = arith.constant 2 : i32
        %add3A_169 = arith.addi %mul3A_167, %add3A_168 : i32
        %get3A_170 = arith.index_cast %add3A_169 : i32 to index
        %get3A_171 = arith.constant 0 : index
        %get3A_172 = tpu.vector_load %arg6[%get3A_170, %get3A_171] {strides = array<i32>} : memref<128x64xf32, #tpu.memory_space<vmem>>, vector<1x16xf32>,
        %get3A_173 = vector.shape_cast %get3A_172 : vector<1x16xf32> to vector<16xf32>
        %mul3A_174 = arith.constant 8.000000e+00 : f32
        %mul3A_175 = vector.broadcast %mul3A_174 : f32 to vector<16xf32>
        %mul3A_176 = arith.mulf %get3A_173, %mul3A_175 : vector<16xf32>
        %swap3A_177 = arith.index_cast %add3A_169 : i32 to index
        %swap3A_178 = arith.constant 0 : index
        %swap3A_179 = tpu.vector_load %arg6[%swap3A_177, %swap3A_178] {strides = array<i32>} : memref<128x64xf32, #tpu.memory_space<vmem>>, vector<1x16xf32>,
        %swap3A_180 = vector.shape_cast %swap3A_179 : vector<1x16xf32> to vector<16xf32>
        %swap3A_181 = vector.shape_cast %mul3A_176 : vector<16xf32> to vector<1x16xf32>
        tpu.vector_store %arg6[%swap3A_177, %swap3A_178], %swap3A_181 {strides = array<i32>} : memref<128x64xf32, #tpu.memory_space<vmem>>, vector<1x16xf32>,
        %get3A_182 = arith.index_cast %add3A_169 : i32 to index
        %get3A_183 = arith.constant 16 : index
        %get3A_184 = tpu.vector_load %arg6[%get3A_182, %get3A_183] {strides = array<i32>} : memref<128x64xf32, #tpu.memory_space<vmem>>, vector<1x16xf32>,
        %get3A_185 = vector.shape_cast %get3A_184 : vector<1x16xf32> to vector<16xf32>
        %mul3A_186 = arith.constant 8.000000e+00 : f32
        %mul3A_187 = vector.broadcast %mul3A_186 : f32 to vector<16xf32>
        %mul3A_188 = arith.mulf %get3A_185, %mul3A_187 : vector<16xf32>
        %swap3A_189 = arith.index_cast %add3A_169 : i32 to index
        %swap3A_190 = arith.constant 16 : index
        %swap3A_191 = tpu.vector_load %arg6[%swap3A_189, %swap3A_190] {strides = array<i32>} : memref<128x64xf32, #tpu.memory_space<vmem>>, vector<1x16xf32>,
        %swap3A_192 = vector.shape_cast %swap3A_191 : vector<1x16xf32> to vector<16xf32>
        %swap3A_193 = vector.shape_cast %mul3A_188 : vector<16xf32> to vector<1x16xf32>
        tpu.vector_store %arg6[%swap3A_189, %swap3A_190], %swap3A_193 {strides = array<i32>} : memref<128x64xf32, #tpu.memory_space<vmem>>, vector<1x16xf32>,
        %get3A_194 = arith.index_cast %add3A_169 : i32 to index
        %get3A_195 = arith.constant 32 : index
        %get3A_196 = tpu.vector_load %arg6[%get3A_194, %get3A_195] {strides = array<i32>} : memref<128x64xf32, #tpu.memory_space<vmem>>, vector<1x16xf32>,
        %get3A_197 = vector.shape_cast %get3A_196 : vector<1x16xf32> to vector<16xf32>
        %mul3A_198 = arith.constant 8.000000e+00 : f32
        %mul3A_199 = vector.broadcast %mul3A_198 : f32 to vector<16xf32>
        %mul3A_200 = arith.mulf %get3A_197, %mul3A_199 : vector<16xf32>
        %swap3A_201 = arith.index_cast %add3A_169 : i32 to index
        %swap3A_202 = arith.constant 32 : index
        %swap3A_203 = tpu.vector_load %arg6[%swap3A_201, %swap3A_202] {strides = array<i32>} : memref<128x64xf32, #tpu.memory_space<vmem>>, vector<1x16xf32>,
        %swap3A_204 = vector.shape_cast %swap3A_203 : vector<1x16xf32> to vector<16xf32>
        %swap3A_205 = vector.shape_cast %mul3A_200 : vector<16xf32> to vector<1x16xf32>
        tpu.vector_store %arg6[%swap3A_201, %swap3A_202], %swap3A_205 {strides = array<i32>} : memref<128x64xf32, #tpu.memory_space<vmem>>, vector<1x16xf32>,
        %get3A_206 = arith.index_cast %add3A_169 : i32 to index
        %get3A_207 = arith.constant 48 : index
        %get3A_208 = tpu.vector_load %arg6[%get3A_206, %get3A_207] {strides = array<i32>} : memref<128x64xf32, #tpu.memory_space<vmem>>, vector<1x16xf32>,
        %get3A_209 = vector.shape_cast %get3A_208 : vector<1x16xf32> to vector<16xf32>
        %mul3A_210 = arith.constant 8.000000e+00 : f32
        %mul3A_211 = vector.broadcast %mul3A_210 : f32 to vector<16xf32>
        %mul3A_212 = arith.mulf %get3A_209, %mul3A_211 : vector<16xf32>
        %swap3A_213 = arith.index_cast %add3A_169 : i32 to index
        %swap3A_214 = arith.constant 48 : index
        %swap3A_215 = tpu.vector_load %arg6[%swap3A_213, %swap3A_214] {strides = array<i32>} : memref<128x64xf32, #tpu.memory_space<vmem>>, vector<1x16xf32>,
        %swap3A_216 = vector.shape_cast %swap3A_215 : vector<1x16xf32> to vector<16xf32>
        %swap3A_217 = vector.shape_cast %mul3A_212 : vector<16xf32> to vector<1x16xf32>
        tpu.vector_store %arg6[%swap3A_213, %swap3A_214], %swap3A_217 {strides = array<i32>} : memref<128x64xf32, #tpu.memory_space<vmem>>, vector<1x16xf32>,
        %mul3A_218 = arith.constant 4 : i32
        %mul3A_219 = arith.muli %scan3A_63, %mul3A_218 : i32
        %add3A_220 = arith.constant 3 : i32
        %add3A_221 = arith.addi %mul3A_219, %add3A_220 : i32
        %get3A_222 = arith.index_cast %add3A_221 : i32 to index
        %get3A_223 = arith.constant 0 : index
        %get3A_224 = tpu.vector_load %arg6[%get3A_222, %get3A_223] {strides = array<i32>} : memref<128x64xf32, #tpu.memory_space<vmem>>, vector<1x16xf32>,
        %get3A_225 = vector.shape_cast %get3A_224 : vector<1x16xf32> to vector<16xf32>
        %mul3A_226 = arith.constant 8.000000e+00 : f32
        %mul3A_227 = vector.broadcast %mul3A_226 : f32 to vector<16xf32>
        %mul3A_228 = arith.mulf %get3A_225, %mul3A_227 : vector<16xf32>
        %swap3A_229 = arith.index_cast %add3A_221 : i32 to index
        %swap3A_230 = arith.constant 0 : index
        %swap3A_231 = tpu.vector_load %arg6[%swap3A_229, %swap3A_230] {strides = array<i32>} : memref<128x64xf32, #tpu.memory_space<vmem>>, vector<1x16xf32>,
        %swap3A_232 = vector.shape_cast %swap3A_231 : vector<1x16xf32> to vector<16xf32>
        %swap3A_233 = vector.shape_cast %mul3A_228 : vector<16xf32> to vector<1x16xf32>
        tpu.vector_store %arg6[%swap3A_229, %swap3A_230], %swap3A_233 {strides = array<i32>} : memref<128x64xf32, #tpu.memory_space<vmem>>, vector<1x16xf32>,
        %get3A_234 = arith.index_cast %add3A_221 : i32 to index
        %get3A_235 = arith.constant 16 : index
        %get3A_236 = tpu.vector_load %arg6[%get3A_234, %get3A_235] {strides = array<i32>} : memref<128x64xf32, #tpu.memory_space<vmem>>, vector<1x16xf32>,
        %get3A_237 = vector.shape_cast %get3A_236 : vector<1x16xf32> to vector<16xf32>
        %mul3A_238 = arith.constant 8.000000e+00 : f32
        %mul3A_239 = vector.broadcast %mul3A_238 : f32 to vector<16xf32>
        %mul3A_240 = arith.mulf %get3A_237, %mul3A_239 : vector<16xf32>
        %swap3A_241 = arith.index_cast %add3A_221 : i32 to index
        %swap3A_242 = arith.constant 16 : index
        %swap3A_243 = tpu.vector_load %arg6[%swap3A_241, %swap3A_242] {strides = array<i32>} : memref<128x64xf32, #tpu.memory_space<vmem>>, vector<1x16xf32>,
        %swap3A_244 = vector.shape_cast %swap3A_243 : vector<1x16xf32> to vector<16xf32>
        %swap3A_245 = vector.shape_cast %mul3A_240 : vector<16xf32> to vector<1x16xf32>
        tpu.vector_store %arg6[%swap3A_241, %swap3A_242], %swap3A_245 {strides = array<i32>} : memref<128x64xf32, #tpu.memory_space<vmem>>, vector<1x16xf32>,
        %get3A_246 = arith.index_cast %add3A_221 : i32 to index
        %get3A_247 = arith.constant 32 : index
        %get3A_248 = tpu.vector_load %arg6[%get3A_246, %get3A_247] {strides = array<i32>} : memref<128x64xf32, #tpu.memory_space<vmem>>, vector<1x16xf32>,
        %get3A_249 = vector.shape_cast %get3A_248 : vector<1x16xf32> to vector<16xf32>
        %mul3A_250 = arith.constant 8.000000e+00 : f32
        %mul3A_251 = vector.broadcast %mul3A_250 : f32 to vector<16xf32>
        %mul3A_252 = arith.mulf %get3A_249, %mul3A_251 : vector<16xf32>
        %swap3A_253 = arith.index_cast %add3A_221 : i32 to index
        %swap3A_254 = arith.constant 32 : index
        %swap3A_255 = tpu.vector_load %arg6[%swap3A_253, %swap3A_254] {strides = array<i32>} : memref<128x64xf32, #tpu.memory_space<vmem>>, vector<1x16xf32>,
        %swap3A_256 = vector.shape_cast %swap3A_255 : vector<1x16xf32> to vector<16xf32>
        %swap3A_257 = vector.shape_cast %mul3A_252 : vector<16xf32> to vector<1x16xf32>
        tpu.vector_store %arg6[%swap3A_253, %swap3A_254], %swap3A_257 {strides = array<i32>} : memref<128x64xf32, #tpu.memory_space<vmem>>, vector<1x16xf32>,
        %get3A_258 = arith.index_cast %add3A_221 : i32 to index
        %get3A_259 = arith.constant 48 : index
        %get3A_260 = tpu.vector_load %arg6[%get3A_258, %get3A_259] {strides = array<i32>} : memref<128x64xf32, #tpu.memory_space<vmem>>, vector<1x16xf32>,
        %get3A_261 = vector.shape_cast %get3A_260 : vector<1x16xf32> to vector<16xf32>
        %mul3A_262 = arith.constant 8.000000e+00 : f32
        %mul3A_263 = vector.broadcast %mul3A_262 : f32 to vector<16xf32>
        %mul3A_264 = arith.mulf %get3A_261, %mul3A_263 : vector<16xf32>
        %swap3A_265 = arith.index_cast %add3A_221 : i32 to index
        %swap3A_266 = arith.constant 48 : index
        %swap3A_267 = tpu.vector_load %arg6[%swap3A_265, %swap3A_266] {strides = array<i32>} : memref<128x64xf32, #tpu.memory_space<vmem>>, vector<1x16xf32>,
        %swap3A_268 = vector.shape_cast %swap3A_267 : vector<1x16xf32> to vector<16xf32>
        %swap3A_269 = vector.shape_cast %mul3A_264 : vector<16xf32> to vector<1x16xf32>
        tpu.vector_store %arg6[%swap3A_265, %swap3A_266], %swap3A_269 {strides = array<i32>} : memref<128x64xf32, #tpu.memory_space<vmem>>, vector<1x16xf32>,
      }
      %scan3A_33 = arith.constant 32 : i32
      %mul3A_34 = arith.constant 128 : i32
      %mul3A_35 = arith.muli %add3A_18, %mul3A_34 : i32
      %add3A_36 = arith.addi %mul3A_2, %mul3A_35 : i32
      "tpu.region"() ({
        %run_scoped3A = tpu.sem_alloc : memref<!tpu.dma_semaphore, #tpu.memory_space<semaphore_mem>>
        %dma_start3A_63 = arith.constant 0 : i32
        %dma_start3A_64 = tpu.memref_slice %arg4[%add3A_36, %dma_start3A_63] : memref<204800x64xf32, #tpu.memory_space<hbm>> -> memref<128x64xf32, #tpu.memory_space<hbm>>
        %dma_start3A_65 = arith.constant 0 : i32
        %dma_start3A_66 = tpu.memref_slice %arg4[%add3A_36, %dma_start3A_65] : memref<204800x64xf32, #tpu.memory_space<hbm>> -> memref<128x64xf32, #tpu.memory_space<hbm>>
        tpu.enqueue_dma source(%arg6 : memref<128x64xf32, #tpu.memory_space<vmem>>) target(%dma_start3A_66 : memref<128x64xf32, #tpu.memory_space<hbm>>) target_semaphore(%run_scoped3A : memref<!tpu.dma_semaphore, #tpu.memory_space<semaphore_mem>>)
        %dma_wait3A_67 = arith.constant 0 : i32
        %dma_wait3A_68 = tpu.memref_slice %arg4[%add3A_36, %dma_wait3A_67] : memref<204800x64xf32, #tpu.memory_space<hbm>> -> memref<128x64xf32, #tpu.memory_space<hbm>>
        %dma_wait3A_69 = arith.constant 0 : i32
        %dma_wait3A_70 = tpu.memref_slice %arg4[%add3A_36, %dma_wait3A_69] : memref<204800x64xf32, #tpu.memory_space<hbm>> -> memref<128x64xf32, #tpu.memory_space<hbm>>
        tpu.wait_dma2 semaphore(%run_scoped3A : memref<!tpu.dma_semaphore, #tpu.memory_space<semaphore_mem>>) src(%arg6 : memref<128x64xf32, #tpu.memory_space<vmem>>) dst(%dma_wait3A_70 : memref<128x64xf32, #tpu.memory_space<hbm>>)
        tpu.yield
      }) : () -> ()
      %mul3A_37 = arith.constant 2 : i32
      %mul3A_38 = arith.muli %scan3A_14, %mul3A_37 : i32
      %add3A_39 = arith.constant 1 : i32
      %add3A_40 = arith.addi %mul3A_38, %add3A_39 : i32
      %add3A_41 = arith.constant 1 : i32
      %add3A_42 = arith.addi %add3A_40, %add3A_41 : i32
      %lt3A_43 = arith.constant 50 : i32
      %lt3A_44 = arith.cmpi slt, %add3A_42, %lt3A_43 : i32
      %convert_element_type3A_45 = arith.extui %lt3A_44 : i1 to i32
      %cond3A_46 = arith.constant 0 : i32
      %cond3A_47 = arith.cmpi ne, %convert_element_type3A_45, %cond3A_46 : i32
      scf.if %cond3A_47 {
        %dma_start3A_63 = arith.constant 0 : i32
        %dma_start3A_64 = tpu.memref_slice %arg5[%add3A_42, %dma_start3A_63] : memref<50x128xi32, #tpu.memory_space<vmem>> -> memref<1x128xi32, #tpu.memory_space<vmem>>
        %dma_start3A_65 = tpu.memref_squeeze %dma_start3A_64 : memref<1x128xi32, #tpu.memory_space<vmem>> -> memref<128xi32, #tpu.memory_space<vmem>>
        %dma_start3A_66 = arith.constant 0 : i32
        %dma_start3A_67 = arith.constant 0 : i32
        %dma_start3A_68 = tpu.memref_slice %arg3[%dma_start3A_66, %dma_start3A_67] : memref<1000000x64xf32, #tpu.memory_space<hbm>> -> memref<1000000x64xf32, #tpu.memory_space<hbm>>
        tpu.enqueue_indirect_dma source(%dma_start3A_68 : memref<1000000x64xf32, #tpu.memory_space<hbm>>) target(%arg6 : memref<128x64xf32, #tpu.memory_space<vmem>>) offsets(%dma_start3A_65 : memref<128xi32, #tpu.memory_space<vmem>>) semaphore(%arg8 : memref<!tpu.dma_semaphore, #tpu.memory_space<semaphore_mem>>)
      } else {
      }
      %dma_wait3A_48 = arith.constant 0 : i32
      %dma_wait3A_49 = tpu.memref_slice %arg5[%add3A_40, %dma_wait3A_48] : memref<50x128xi32, #tpu.memory_space<vmem>> -> memref<1x128xi32, #tpu.memory_space<vmem>>
      %dma_wait3A_50 = tpu.memref_squeeze %dma_wait3A_49 : memref<1x128xi32, #tpu.memory_space<vmem>> -> memref<128xi32, #tpu.memory_space<vmem>>
      %dma_wait3A_51 = arith.constant 0 : i32
      %dma_wait3A_52 = arith.constant 0 : i32
      %dma_wait3A_53 = tpu.memref_slice %arg3[%dma_wait3A_51, %dma_wait3A_52] : memref<1000000x64xf32, #tpu.memory_space<hbm>> -> memref<1000000x64xf32, #tpu.memory_space<hbm>>
      tpu.wait_indirect_dma semaphore(%arg9 : memref<!tpu.dma_semaphore, #tpu.memory_space<semaphore_mem>>) src(%dma_wait3A_53 : memref<1000000x64xf32, #tpu.memory_space<hbm>>) dst(%arg7 : memref<128x64xf32, #tpu.memory_space<vmem>>)
      %scan3A_54 = arith.constant 0 : i32
      %scan3A_55 = arith.constant 0 : i32
      %scan3A_56 = arith.constant 32 : i32
      %scan3A_57 = arith.addi %scan3A_55, %scan3A_56 : i32
      %scan3A_58 = arith.constant 1 : i32
      scf.for %scan3A_63 = %scan3A_55 to %scan3A_57 step %scan3A_58  : i32 {
        %mul3A_64 = arith.constant 4 : i32
        %mul3A_65 = arith.muli %scan3A_63, %mul3A_64 : i32
        %add3A_66 = arith.constant 0 : i32
        %add3A_67 = arith.addi %mul3A_65, %add3A_66 : i32
        %get3A = arith.index_cast %add3A_67 : i32 to index
        %get3A_68 = arith.constant 0 : index
        %get3A_69 = tpu.vector_load %arg7[%get3A, %get3A_68] {strides = array<i32>} : memref<128x64xf32, #tpu.memory_space<vmem>>, vector<1x16xf32>,
        %get3A_70 = vector.shape_cast %get3A_69 : vector<1x16xf32> to vector<16xf32>
        %mul3A_71 = arith.constant 8.000000e+00 : f32
        %mul3A_72 = vector.broadcast %mul3A_71 : f32 to vector<16xf32>
        %mul3A_73 = arith.mulf %get3A_70, %mul3A_72 : vector<16xf32>
        %swap3A = arith.index_cast %add3A_67 : i32 to index
        %swap3A_74 = arith.constant 0 : index
        %swap3A_75 = tpu.vector_load %arg7[%swap3A, %swap3A_74] {strides = array<i32>} : memref<128x64xf32, #tpu.memory_space<vmem>>, vector<1x16xf32>,
        %swap3A_76 = vector.shape_cast %swap3A_75 : vector<1x16xf32> to vector<16xf32>
        %swap3A_77 = vector.shape_cast %mul3A_73 : vector<16xf32> to vector<1x16xf32>
        tpu.vector_store %arg7[%swap3A, %swap3A_74], %swap3A_77 {strides = array<i32>} : memref<128x64xf32, #tpu.memory_space<vmem>>, vector<1x16xf32>,
        %get3A_78 = arith.index_cast %add3A_67 : i32 to index
        %get3A_79 = arith.constant 16 : index
        %get3A_80 = tpu.vector_load %arg7[%get3A_78, %get3A_79] {strides = array<i32>} : memref<128x64xf32, #tpu.memory_space<vmem>>, vector<1x16xf32>,
        %get3A_81 = vector.shape_cast %get3A_80 : vector<1x16xf32> to vector<16xf32>
        %mul3A_82 = arith.constant 8.000000e+00 : f32
        %mul3A_83 = vector.broadcast %mul3A_82 : f32 to vector<16xf32>
        %mul3A_84 = arith.mulf %get3A_81, %mul3A_83 : vector<16xf32>
        %swap3A_85 = arith.index_cast %add3A_67 : i32 to index
        %swap3A_86 = arith.constant 16 : index
        %swap3A_87 = tpu.vector_load %arg7[%swap3A_85, %swap3A_86] {strides = array<i32>} : memref<128x64xf32, #tpu.memory_space<vmem>>, vector<1x16xf32>,
        %swap3A_88 = vector.shape_cast %swap3A_87 : vector<1x16xf32> to vector<16xf32>
        %swap3A_89 = vector.shape_cast %mul3A_84 : vector<16xf32> to vector<1x16xf32>
        tpu.vector_store %arg7[%swap3A_85, %swap3A_86], %swap3A_89 {strides = array<i32>} : memref<128x64xf32, #tpu.memory_space<vmem>>, vector<1x16xf32>,
        %get3A_90 = arith.index_cast %add3A_67 : i32 to index
        %get3A_91 = arith.constant 32 : index
        %get3A_92 = tpu.vector_load %arg7[%get3A_90, %get3A_91] {strides = array<i32>} : memref<128x64xf32, #tpu.memory_space<vmem>>, vector<1x16xf32>,
        %get3A_93 = vector.shape_cast %get3A_92 : vector<1x16xf32> to vector<16xf32>
        %mul3A_94 = arith.constant 8.000000e+00 : f32
        %mul3A_95 = vector.broadcast %mul3A_94 : f32 to vector<16xf32>
        %mul3A_96 = arith.mulf %get3A_93, %mul3A_95 : vector<16xf32>
        %swap3A_97 = arith.index_cast %add3A_67 : i32 to index
        %swap3A_98 = arith.constant 32 : index
        %swap3A_99 = tpu.vector_load %arg7[%swap3A_97, %swap3A_98] {strides = array<i32>} : memref<128x64xf32, #tpu.memory_space<vmem>>, vector<1x16xf32>,
        %swap3A_100 = vector.shape_cast %swap3A_99 : vector<1x16xf32> to vector<16xf32>
        %swap3A_101 = vector.shape_cast %mul3A_96 : vector<16xf32> to vector<1x16xf32>
        tpu.vector_store %arg7[%swap3A_97, %swap3A_98], %swap3A_101 {strides = array<i32>} : memref<128x64xf32, #tpu.memory_space<vmem>>, vector<1x16xf32>,
        %get3A_102 = arith.index_cast %add3A_67 : i32 to index
        %get3A_103 = arith.constant 48 : index
        %get3A_104 = tpu.vector_load %arg7[%get3A_102, %get3A_103] {strides = array<i32>} : memref<128x64xf32, #tpu.memory_space<vmem>>, vector<1x16xf32>,
        %get3A_105 = vector.shape_cast %get3A_104 : vector<1x16xf32> to vector<16xf32>
        %mul3A_106 = arith.constant 8.000000e+00 : f32
        %mul3A_107 = vector.broadcast %mul3A_106 : f32 to vector<16xf32>
        %mul3A_108 = arith.mulf %get3A_105, %mul3A_107 : vector<16xf32>
        %swap3A_109 = arith.index_cast %add3A_67 : i32 to index
        %swap3A_110 = arith.constant 48 : index
        %swap3A_111 = tpu.vector_load %arg7[%swap3A_109, %swap3A_110] {strides = array<i32>} : memref<128x64xf32, #tpu.memory_space<vmem>>, vector<1x16xf32>,
        %swap3A_112 = vector.shape_cast %swap3A_111 : vector<1x16xf32> to vector<16xf32>
        %swap3A_113 = vector.shape_cast %mul3A_108 : vector<16xf32> to vector<1x16xf32>
        tpu.vector_store %arg7[%swap3A_109, %swap3A_110], %swap3A_113 {strides = array<i32>} : memref<128x64xf32, #tpu.memory_space<vmem>>, vector<1x16xf32>,
        %mul3A_114 = arith.constant 4 : i32
        %mul3A_115 = arith.muli %scan3A_63, %mul3A_114 : i32
        %add3A_116 = arith.constant 1 : i32
        %add3A_117 = arith.addi %mul3A_115, %add3A_116 : i32
        %get3A_118 = arith.index_cast %add3A_117 : i32 to index
        %get3A_119 = arith.constant 0 : index
        %get3A_120 = tpu.vector_load %arg7[%get3A_118, %get3A_119] {strides = array<i32>} : memref<128x64xf32, #tpu.memory_space<vmem>>, vector<1x16xf32>,
        %get3A_121 = vector.shape_cast %get3A_120 : vector<1x16xf32> to vector<16xf32>
        %mul3A_122 = arith.constant 8.000000e+00 : f32
        %mul3A_123 = vector.broadcast %mul3A_122 : f32 to vector<16xf32>
        %mul3A_124 = arith.mulf %get3A_121, %mul3A_123 : vector<16xf32>
        %swap3A_125 = arith.index_cast %add3A_117 : i32 to index
        %swap3A_126 = arith.constant 0 : index
        %swap3A_127 = tpu.vector_load %arg7[%swap3A_125, %swap3A_126] {strides = array<i32>} : memref<128x64xf32, #tpu.memory_space<vmem>>, vector<1x16xf32>,
        %swap3A_128 = vector.shape_cast %swap3A_127 : vector<1x16xf32> to vector<16xf32>
        %swap3A_129 = vector.shape_cast %mul3A_124 : vector<16xf32> to vector<1x16xf32>
        tpu.vector_store %arg7[%swap3A_125, %swap3A_126], %swap3A_129 {strides = array<i32>} : memref<128x64xf32, #tpu.memory_space<vmem>>, vector<1x16xf32>,
        %get3A_130 = arith.index_cast %add3A_117 : i32 to index
        %get3A_131 = arith.constant 16 : index
        %get3A_132 = tpu.vector_load %arg7[%get3A_130, %get3A_131] {strides = array<i32>} : memref<128x64xf32, #tpu.memory_space<vmem>>, vector<1x16xf32>,
        %get3A_133 = vector.shape_cast %get3A_132 : vector<1x16xf32> to vector<16xf32>
        %mul3A_134 = arith.constant 8.000000e+00 : f32
        %mul3A_135 = vector.broadcast %mul3A_134 : f32 to vector<16xf32>
        %mul3A_136 = arith.mulf %get3A_133, %mul3A_135 : vector<16xf32>
        %swap3A_137 = arith.index_cast %add3A_117 : i32 to index
        %swap3A_138 = arith.constant 16 : index
        %swap3A_139 = tpu.vector_load %arg7[%swap3A_137, %swap3A_138] {strides = array<i32>} : memref<128x64xf32, #tpu.memory_space<vmem>>, vector<1x16xf32>,
        %swap3A_140 = vector.shape_cast %swap3A_139 : vector<1x16xf32> to vector<16xf32>
        %swap3A_141 = vector.shape_cast %mul3A_136 : vector<16xf32> to vector<1x16xf32>
        tpu.vector_store %arg7[%swap3A_137, %swap3A_138], %swap3A_141 {strides = array<i32>} : memref<128x64xf32, #tpu.memory_space<vmem>>, vector<1x16xf32>,
        %get3A_142 = arith.index_cast %add3A_117 : i32 to index
        %get3A_143 = arith.constant 32 : index
        %get3A_144 = tpu.vector_load %arg7[%get3A_142, %get3A_143] {strides = array<i32>} : memref<128x64xf32, #tpu.memory_space<vmem>>, vector<1x16xf32>,
        %get3A_145 = vector.shape_cast %get3A_144 : vector<1x16xf32> to vector<16xf32>
        %mul3A_146 = arith.constant 8.000000e+00 : f32
        %mul3A_147 = vector.broadcast %mul3A_146 : f32 to vector<16xf32>
        %mul3A_148 = arith.mulf %get3A_145, %mul3A_147 : vector<16xf32>
        %swap3A_149 = arith.index_cast %add3A_117 : i32 to index
        %swap3A_150 = arith.constant 32 : index
        %swap3A_151 = tpu.vector_load %arg7[%swap3A_149, %swap3A_150] {strides = array<i32>} : memref<128x64xf32, #tpu.memory_space<vmem>>, vector<1x16xf32>,
        %swap3A_152 = vector.shape_cast %swap3A_151 : vector<1x16xf32> to vector<16xf32>
        %swap3A_153 = vector.shape_cast %mul3A_148 : vector<16xf32> to vector<1x16xf32>
        tpu.vector_store %arg7[%swap3A_149, %swap3A_150], %swap3A_153 {strides = array<i32>} : memref<128x64xf32, #tpu.memory_space<vmem>>, vector<1x16xf32>,
        %get3A_154 = arith.index_cast %add3A_117 : i32 to index
        %get3A_155 = arith.constant 48 : index
        %get3A_156 = tpu.vector_load %arg7[%get3A_154, %get3A_155] {strides = array<i32>} : memref<128x64xf32, #tpu.memory_space<vmem>>, vector<1x16xf32>,
        %get3A_157 = vector.shape_cast %get3A_156 : vector<1x16xf32> to vector<16xf32>
        %mul3A_158 = arith.constant 8.000000e+00 : f32
        %mul3A_159 = vector.broadcast %mul3A_158 : f32 to vector<16xf32>
        %mul3A_160 = arith.mulf %get3A_157, %mul3A_159 : vector<16xf32>
        %swap3A_161 = arith.index_cast %add3A_117 : i32 to index
        %swap3A_162 = arith.constant 48 : index
        %swap3A_163 = tpu.vector_load %arg7[%swap3A_161, %swap3A_162] {strides = array<i32>} : memref<128x64xf32, #tpu.memory_space<vmem>>, vector<1x16xf32>,
        %swap3A_164 = vector.shape_cast %swap3A_163 : vector<1x16xf32> to vector<16xf32>
        %swap3A_165 = vector.shape_cast %mul3A_160 : vector<16xf32> to vector<1x16xf32>
        tpu.vector_store %arg7[%swap3A_161, %swap3A_162], %swap3A_165 {strides = array<i32>} : memref<128x64xf32, #tpu.memory_space<vmem>>, vector<1x16xf32>,
        %mul3A_166 = arith.constant 4 : i32
        %mul3A_167 = arith.muli %scan3A_63, %mul3A_166 : i32
        %add3A_168 = arith.constant 2 : i32
        %add3A_169 = arith.addi %mul3A_167, %add3A_168 : i32
        %get3A_170 = arith.index_cast %add3A_169 : i32 to index
        %get3A_171 = arith.constant 0 : index
        %get3A_172 = tpu.vector_load %arg7[%get3A_170, %get3A_171] {strides = array<i32>} : memref<128x64xf32, #tpu.memory_space<vmem>>, vector<1x16xf32>,
        %get3A_173 = vector.shape_cast %get3A_172 : vector<1x16xf32> to vector<16xf32>
        %mul3A_174 = arith.constant 8.000000e+00 : f32
        %mul3A_175 = vector.broadcast %mul3A_174 : f32 to vector<16xf32>
        %mul3A_176 = arith.mulf %get3A_173, %mul3A_175 : vector<16xf32>
        %swap3A_177 = arith.index_cast %add3A_169 : i32 to index
        %swap3A_178 = arith.constant 0 : index
        %swap3A_179 = tpu.vector_load %arg7[%swap3A_177, %swap3A_178] {strides = array<i32>} : memref<128x64xf32, #tpu.memory_space<vmem>>, vector<1x16xf32>,
        %swap3A_180 = vector.shape_cast %swap3A_179 : vector<1x16xf32> to vector<16xf32>
        %swap3A_181 = vector.shape_cast %mul3A_176 : vector<16xf32> to vector<1x16xf32>
        tpu.vector_store %arg7[%swap3A_177, %swap3A_178], %swap3A_181 {strides = array<i32>} : memref<128x64xf32, #tpu.memory_space<vmem>>, vector<1x16xf32>,
        %get3A_182 = arith.index_cast %add3A_169 : i32 to index
        %get3A_183 = arith.constant 16 : index
        %get3A_184 = tpu.vector_load %arg7[%get3A_182, %get3A_183] {strides = array<i32>} : memref<128x64xf32, #tpu.memory_space<vmem>>, vector<1x16xf32>,
        %get3A_185 = vector.shape_cast %get3A_184 : vector<1x16xf32> to vector<16xf32>
        %mul3A_186 = arith.constant 8.000000e+00 : f32
        %mul3A_187 = vector.broadcast %mul3A_186 : f32 to vector<16xf32>
        %mul3A_188 = arith.mulf %get3A_185, %mul3A_187 : vector<16xf32>
        %swap3A_189 = arith.index_cast %add3A_169 : i32 to index
        %swap3A_190 = arith.constant 16 : index
        %swap3A_191 = tpu.vector_load %arg7[%swap3A_189, %swap3A_190] {strides = array<i32>} : memref<128x64xf32, #tpu.memory_space<vmem>>, vector<1x16xf32>,
        %swap3A_192 = vector.shape_cast %swap3A_191 : vector<1x16xf32> to vector<16xf32>
        %swap3A_193 = vector.shape_cast %mul3A_188 : vector<16xf32> to vector<1x16xf32>
        tpu.vector_store %arg7[%swap3A_189, %swap3A_190], %swap3A_193 {strides = array<i32>} : memref<128x64xf32, #tpu.memory_space<vmem>>, vector<1x16xf32>,
        %get3A_194 = arith.index_cast %add3A_169 : i32 to index
        %get3A_195 = arith.constant 32 : index
        %get3A_196 = tpu.vector_load %arg7[%get3A_194, %get3A_195] {strides = array<i32>} : memref<128x64xf32, #tpu.memory_space<vmem>>, vector<1x16xf32>,
        %get3A_197 = vector.shape_cast %get3A_196 : vector<1x16xf32> to vector<16xf32>
        %mul3A_198 = arith.constant 8.000000e+00 : f32
        %mul3A_199 = vector.broadcast %mul3A_198 : f32 to vector<16xf32>
        %mul3A_200 = arith.mulf %get3A_197, %mul3A_199 : vector<16xf32>
        %swap3A_201 = arith.index_cast %add3A_169 : i32 to index
        %swap3A_202 = arith.constant 32 : index
        %swap3A_203 = tpu.vector_load %arg7[%swap3A_201, %swap3A_202] {strides = array<i32>} : memref<128x64xf32, #tpu.memory_space<vmem>>, vector<1x16xf32>,
        %swap3A_204 = vector.shape_cast %swap3A_203 : vector<1x16xf32> to vector<16xf32>
        %swap3A_205 = vector.shape_cast %mul3A_200 : vector<16xf32> to vector<1x16xf32>
        tpu.vector_store %arg7[%swap3A_201, %swap3A_202], %swap3A_205 {strides = array<i32>} : memref<128x64xf32, #tpu.memory_space<vmem>>, vector<1x16xf32>,
        %get3A_206 = arith.index_cast %add3A_169 : i32 to index
        %get3A_207 = arith.constant 48 : index
        %get3A_208 = tpu.vector_load %arg7[%get3A_206, %get3A_207] {strides = array<i32>} : memref<128x64xf32, #tpu.memory_space<vmem>>, vector<1x16xf32>,
        %get3A_209 = vector.shape_cast %get3A_208 : vector<1x16xf32> to vector<16xf32>
        %mul3A_210 = arith.constant 8.000000e+00 : f32
        %mul3A_211 = vector.broadcast %mul3A_210 : f32 to vector<16xf32>
        %mul3A_212 = arith.mulf %get3A_209, %mul3A_211 : vector<16xf32>
        %swap3A_213 = arith.index_cast %add3A_169 : i32 to index
        %swap3A_214 = arith.constant 48 : index
        %swap3A_215 = tpu.vector_load %arg7[%swap3A_213, %swap3A_214] {strides = array<i32>} : memref<128x64xf32, #tpu.memory_space<vmem>>, vector<1x16xf32>,
        %swap3A_216 = vector.shape_cast %swap3A_215 : vector<1x16xf32> to vector<16xf32>
        %swap3A_217 = vector.shape_cast %mul3A_212 : vector<16xf32> to vector<1x16xf32>
        tpu.vector_store %arg7[%swap3A_213, %swap3A_214], %swap3A_217 {strides = array<i32>} : memref<128x64xf32, #tpu.memory_space<vmem>>, vector<1x16xf32>,
        %mul3A_218 = arith.constant 4 : i32
        %mul3A_219 = arith.muli %scan3A_63, %mul3A_218 : i32
        %add3A_220 = arith.constant 3 : i32
        %add3A_221 = arith.addi %mul3A_219, %add3A_220 : i32
        %get3A_222 = arith.index_cast %add3A_221 : i32 to index
        %get3A_223 = arith.constant 0 : index
        %get3A_224 = tpu.vector_load %arg7[%get3A_222, %get3A_223] {strides = array<i32>} : memref<128x64xf32, #tpu.memory_space<vmem>>, vector<1x16xf32>,
        %get3A_225 = vector.shape_cast %get3A_224 : vector<1x16xf32> to vector<16xf32>
        %mul3A_226 = arith.constant 8.000000e+00 : f32
        %mul3A_227 = vector.broadcast %mul3A_226 : f32 to vector<16xf32>
        %mul3A_228 = arith.mulf %get3A_225, %mul3A_227 : vector<16xf32>
        %swap3A_229 = arith.index_cast %add3A_221 : i32 to index
        %swap3A_230 = arith.constant 0 : index
        %swap3A_231 = tpu.vector_load %arg7[%swap3A_229, %swap3A_230] {strides = array<i32>} : memref<128x64xf32, #tpu.memory_space<vmem>>, vector<1x16xf32>,
        %swap3A_232 = vector.shape_cast %swap3A_231 : vector<1x16xf32> to vector<16xf32>
        %swap3A_233 = vector.shape_cast %mul3A_228 : vector<16xf32> to vector<1x16xf32>
        tpu.vector_store %arg7[%swap3A_229, %swap3A_230], %swap3A_233 {strides = array<i32>} : memref<128x64xf32, #tpu.memory_space<vmem>>, vector<1x16xf32>,
        %get3A_234 = arith.index_cast %add3A_221 : i32 to index
        %get3A_235 = arith.constant 16 : index
        %get3A_236 = tpu.vector_load %arg7[%get3A_234, %get3A_235] {strides = array<i32>} : memref<128x64xf32, #tpu.memory_space<vmem>>, vector<1x16xf32>,
        %get3A_237 = vector.shape_cast %get3A_236 : vector<1x16xf32> to vector<16xf32>
        %mul3A_238 = arith.constant 8.000000e+00 : f32
        %mul3A_239 = vector.broadcast %mul3A_238 : f32 to vector<16xf32>
        %mul3A_240 = arith.mulf %get3A_237, %mul3A_239 : vector<16xf32>
        %swap3A_241 = arith.index_cast %add3A_221 : i32 to index
        %swap3A_242 = arith.constant 16 : index
        %swap3A_243 = tpu.vector_load %arg7[%swap3A_241, %swap3A_242] {strides = array<i32>} : memref<128x64xf32, #tpu.memory_space<vmem>>, vector<1x16xf32>,
        %swap3A_244 = vector.shape_cast %swap3A_243 : vector<1x16xf32> to vector<16xf32>
        %swap3A_245 = vector.shape_cast %mul3A_240 : vector<16xf32> to vector<1x16xf32>
        tpu.vector_store %arg7[%swap3A_241, %swap3A_242], %swap3A_245 {strides = array<i32>} : memref<128x64xf32, #tpu.memory_space<vmem>>, vector<1x16xf32>,
        %get3A_246 = arith.index_cast %add3A_221 : i32 to index
        %get3A_247 = arith.constant 32 : index
        %get3A_248 = tpu.vector_load %arg7[%get3A_246, %get3A_247] {strides = array<i32>} : memref<128x64xf32, #tpu.memory_space<vmem>>, vector<1x16xf32>,
        %get3A_249 = vector.shape_cast %get3A_248 : vector<1x16xf32> to vector<16xf32>
        %mul3A_250 = arith.constant 8.000000e+00 : f32
        %mul3A_251 = vector.broadcast %mul3A_250 : f32 to vector<16xf32>
        %mul3A_252 = arith.mulf %get3A_249, %mul3A_251 : vector<16xf32>
        %swap3A_253 = arith.index_cast %add3A_221 : i32 to index
        %swap3A_254 = arith.constant 32 : index
        %swap3A_255 = tpu.vector_load %arg7[%swap3A_253, %swap3A_254] {strides = array<i32>} : memref<128x64xf32, #tpu.memory_space<vmem>>, vector<1x16xf32>,
        %swap3A_256 = vector.shape_cast %swap3A_255 : vector<1x16xf32> to vector<16xf32>
        %swap3A_257 = vector.shape_cast %mul3A_252 : vector<16xf32> to vector<1x16xf32>
        tpu.vector_store %arg7[%swap3A_253, %swap3A_254], %swap3A_257 {strides = array<i32>} : memref<128x64xf32, #tpu.memory_space<vmem>>, vector<1x16xf32>,
        %get3A_258 = arith.index_cast %add3A_221 : i32 to index
        %get3A_259 = arith.constant 48 : index
        %get3A_260 = tpu.vector_load %arg7[%get3A_258, %get3A_259] {strides = array<i32>} : memref<128x64xf32, #tpu.memory_space<vmem>>, vector<1x16xf32>,
        %get3A_261 = vector.shape_cast %get3A_260 : vector<1x16xf32> to vector<16xf32>
        %mul3A_262 = arith.constant 8.000000e+00 : f32
        %mul3A_263 = vector.broadcast %mul3A_262 : f32 to vector<16xf32>
        %mul3A_264 = arith.mulf %get3A_261, %mul3A_263 : vector<16xf32>
        %swap3A_265 = arith.index_cast %add3A_221 : i32 to index
        %swap3A_266 = arith.constant 48 : index
        %swap3A_267 = tpu.vector_load %arg7[%swap3A_265, %swap3A_266] {strides = array<i32>} : memref<128x64xf32, #tpu.memory_space<vmem>>, vector<1x16xf32>,
        %swap3A_268 = vector.shape_cast %swap3A_267 : vector<1x16xf32> to vector<16xf32>
        %swap3A_269 = vector.shape_cast %mul3A_264 : vector<16xf32> to vector<1x16xf32>
        tpu.vector_store %arg7[%swap3A_265, %swap3A_266], %swap3A_269 {strides = array<i32>} : memref<128x64xf32, #tpu.memory_space<vmem>>, vector<1x16xf32>,
      }
      %scan3A_59 = arith.constant 32 : i32
      %mul3A_60 = arith.constant 128 : i32
      %mul3A_61 = arith.muli %add3A_40, %mul3A_60 : i32
      %add3A_62 = arith.addi %mul3A_2, %mul3A_61 : i32
      "tpu.region"() ({
        %run_scoped3A = tpu.sem_alloc : memref<!tpu.dma_semaphore, #tpu.memory_space<semaphore_mem>>
        %dma_start3A_63 = arith.constant 0 : i32
        %dma_start3A_64 = tpu.memref_slice %arg4[%add3A_62, %dma_start3A_63] : memref<204800x64xf32, #tpu.memory_space<hbm>> -> memref<128x64xf32, #tpu.memory_space<hbm>>
        %dma_start3A_65 = arith.constant 0 : i32
        %dma_start3A_66 = tpu.memref_slice %arg4[%add3A_62, %dma_start3A_65] : memref<204800x64xf32, #tpu.memory_space<hbm>> -> memref<128x64xf32, #tpu.memory_space<hbm>>
        tpu.enqueue_dma source(%arg7 : memref<128x64xf32, #tpu.memory_space<vmem>>) target(%dma_start3A_66 : memref<128x64xf32, #tpu.memory_space<hbm>>) target_semaphore(%run_scoped3A : memref<!tpu.dma_semaphore, #tpu.memory_space<semaphore_mem>>)
        %dma_wait3A_67 = arith.constant 0 : i32
        %dma_wait3A_68 = tpu.memref_slice %arg4[%add3A_62, %dma_wait3A_67] : memref<204800x64xf32, #tpu.memory_space<hbm>> -> memref<128x64xf32, #tpu.memory_space<hbm>>
        %dma_wait3A_69 = arith.constant 0 : i32
        %dma_wait3A_70 = tpu.memref_slice %arg4[%add3A_62, %dma_wait3A_69] : memref<204800x64xf32, #tpu.memory_space<hbm>> -> memref<128x64xf32, #tpu.memory_space<hbm>>
        tpu.wait_dma2 semaphore(%run_scoped3A : memref<!tpu.dma_semaphore, #tpu.memory_space<semaphore_mem>>) src(%arg7 : memref<128x64xf32, #tpu.memory_space<vmem>>) dst(%dma_wait3A_70 : memref<128x64xf32, #tpu.memory_space<hbm>>)
        tpu.yield
      }) : () -> ()
    }
    %scan3A_13 = arith.constant 25 : i32
    return
  }
}

</mosaic_0001>

<sc_bundles>
// kernel: kernel.3.cloned.1.call-start
scs
__scs_entry_jumppad:
0x0: {  	(pc) =	sbr.rel $0x88, $3  }
0x1: {  	(tag) =	ssettag $0x0;
	lr =	simm.s32 $0x1  }
0x2: {  	[smem:$0x3F9F] =	sst lr;
	_ =	strace $0xD0000000  }
0x3: {  	_ = 	snop  }
0x4: {  	_ = 	snop  }
0x5: {  	_ = 	snop  }
0x6: {  	_ = 	snop  }
0x7: {  	_ = 	snop  }
__scs_overlays_trampoline_lowered:
0x8: {  	[smem:$0x3FAE] =	sst s0  }
0x9: {  	[smem:$0x3FAF] =	sst s1  }
0xa: {  	[smem:$0x3FB0] =	sst s2  }
0xb: {  	[smem:$0x3FB1] =	sst s3  }
0xc: {  	[smem:$0x3FB2] =	sst s4  }
0xd: {  	[smem:$0x3FB3] =	sst s5  }
0xe: {  	[smem:$0x3FB4] =	sst s6  }
0xf: {  	[smem:$0x3FB5] =	sst s7  }
0x10: {  	[smem:$0x3FB6] =	sst s8  }
0x11: {  	[smem:$0x3FB7] =	sst s9;
	s0 =	simm.s32 @!p0 $0x0  }
0x12: {  	s1 =	sld [smem:$0x3F9D];
	s0 =	simm.s32 @p0 $0x1  }
0x13: {  	[smem:$0x3FB8] =	sst s0;
	s0 =	simm.s32 @!p1 $0x0  }
0x14: {  	s2 =	sld [smem:$0x3F9C];
	s0 =	simm.s32 @p1 $0x1  }
0x15: {  	[smem:$0x3FB9] =	sst s0;
	s0 =	simm.s32 @!p2 $0x0  }
0x16: {  	s3 =	sld [smem:$0x3FDB];
	s0 =	simm.s32 @p2 $0x1  }
0x17: {  	s4 =	simm.s32 $0x1BF5;
	[smem:$0x3FBB] =	sst s0  }
0x18: {  	s0 =	sld [smem:$0x3F9E];
	_ =	swait.ge [sflag:s4], $0x0  }
0x19: {  	s7 =	sld [smem:$0x3F9F]  }
0x1a: {  	s8 =	sadd.s32 $0xFFFFE003, lr  }
0x1b: {  	s9 =	sadd.s32 $0xFFFFFEF7, lr;
	s5 =	simm.s32 $0xFFFFFFFF;
	p2 =	slt.u32 s8, $0xFFFFF086  }
0x1c: {  	p1 =	slt.u32 s9, $0xF7A;
	s5 =	simm.s32 @!p2 $0x0  }
0x1d: {  	s5 =	simm.s32 @p1 $0x1;
	p0 =	seq.s32 s7, s2  }
0x1e: {  	s7 =	smul.u32 @!p0 $0xF7A, s2;
	p2 =	seq.s32 @!p0 s5, $0x0  }
0x1f: {  	s9 =	smul.u32 $0xF7A, s1;
	s8 =	simm.s32 @!p0 $0x1BF5;
	p2 =	por !p2, p0  }
0x20: {  	[sflag:s8] =	ssyncset.s32 @!p0 $0xFFFFF086;
	s6 =	sadd.s32 @!p0 s3, s7;
	s7 =	simm.s32 @!p0 $0x108  }
0x21: {  	s3 =	sadd.s32 s3, s9;
	s6 =	sadd.s32 @!p0 $0x88, s6;
	s7 =	simm.s32 @p2 $0x1082  }
0x22: {  	[simem:s7], [sflag:s8] =	dma.local @!p0 [hbm:s6], $0xF7A  }
0x23: {  	s9 =	sor.u32 $0xD0000000, s2;
	s6 =	simm.s32 $0x108;
	_ =	swait.ge @!p0 [sflag:s8], $0x0  }
0x24: {  	s3 =	sadd.s32 $0x88, s3;
	s6 =	simm.s32 @!p1 $0x1082;
	[sflag:s4] =	ssyncset.s32 $0xFFFFF086  }
0x25: {  	[simem:s6], [sflag:s4] =	dma.local [hbm:s3], $0xF7A  }
0x26: {  	[smem:$0x3F9F] =	sst s1;
	(tag) =	ssettag s2;
	_ =	strace s9  }
0x27: {  	s1 =	sld [smem:$0x3FAF]  }
0x28: {  	s2 =	sld [smem:$0x3FB0]  }
0x29: {  	s4 =	sld [smem:$0x3FB2]  }
0x2a: {  	p0 =	seq.s32 s5, $0x0;
	s5 =	sld [smem:$0x3FB3]  }
0x2b: {  	s6 =	sld [smem:$0x3FB4]  }
0x2c: {  	s7 =	sld [smem:$0x3FB5]  }
0x2d: {  	s3 =	simm.s32 $0x108;
	s8 =	sld [smem:$0x3FB6]  }
0x2e: {  	s3 =	simm.s32 @!p0 $0x1082;
	s9 =	sld [smem:$0x3FB7]  }
0x2f: {  	lr =	sadd.s32 s0, s3;
	s0 =	sld [smem:$0x3FAE]  }
0x30: {  	s3 =	sld [smem:$0x3FB1]  }
0x31: {  	[smem:$0x3FBA] =	sst s10  }
0x32: {  	s10 =	sld [smem:$0x3FB8];
	_ =	sdelay $0x3  }
0x33: {  	p0 =	seq.s32 s10, $0x1;
	s10 =	sld [smem:$0x3FBA];
	_ =	sdelay $0x3  }
0x34: {  	[smem:$0x3FBA] =	sst s10  }
0x35: {  	s10 =	sld [smem:$0x3FB9];
	_ =	sdelay $0x3  }
0x36: {  	p1 =	seq.s32 s10, $0x1;
	s10 =	sld [smem:$0x3FBA];
	_ =	sdelay $0x3  }
0x37: {  	[smem:$0x3FBA] =	sst s10  }
0x38: {  	s10 =	sld [smem:$0x3FBB]  }
0x39: {  	_ = 	snop;
	(pc) =	sbr.ind lr, $3  }
0x3a: {  	_ = 	snop  }
0x3b: {  	_ = 	snop  }
0x3c: {  	p2 =	seq.s32 s10, $0x1;
	s10 =	sld [smem:$0x3FBA]  }
0x3d: {  	_ =	shalt  }
0x3e: {  	_ =	shalt  }
0x3f: {  	_ =	shalt  }
0x40: {  	_ =	shalt  }
0x41: {  	_ =	shalt  }
0x42: {  	_ =	shalt  }
0x43: {  	_ =	shalt  }
0x44: {  	_ =	shalt  }
0x45: {  	_ =	shalt  }
0x46: {  	_ =	shalt  }
0x47: {  	_ =	shalt  }
0x48: {  	_ =	shalt  }
0x49: {  	_ =	shalt  }
0x4a: {  	_ =	shalt  }
0x4b: {  	_ =	shalt  }
0x4c: {  	_ =	shalt  }
0x4d: {  	_ =	shalt  }
0x4e: {  	_ =	shalt  }
0x4f: {  	_ =	shalt  }
0x50: {  	_ =	shalt  }
0x51: {  	_ =	shalt  }
0x52: {  	_ =	shalt  }
0x53: {  	_ =	shalt  }
0x54: {  	_ =	shalt  }
0x55: {  	_ =	shalt  }
0x56: {  	_ =	shalt  }
0x57: {  	_ =	shalt  }
0x58: {  	_ =	shalt  }
0x59: {  	_ =	shalt  }
0x5a: {  	_ =	shalt  }
0x5b: {  	_ =	shalt  }
0x5c: {  	_ =	shalt  }
0x5d: {  	_ =	shalt  }
0x5e: {  	_ =	shalt  }
0x5f: {  	_ =	shalt  }
0x60: {  	_ =	shalt  }
0x61: {  	_ =	shalt  }
0x62: {  	_ =	shalt  }
0x63: {  	_ =	shalt  }
0x64: {  	_ =	shalt  }
0x65: {  	_ =	shalt  }
0x66: {  	_ =	shalt  }
0x67: {  	_ =	shalt  }
0x68: {  	_ =	shalt  }
0x69: {  	_ =	shalt  }
0x6a: {  	_ =	shalt  }
0x6b: {  	_ =	shalt  }
0x6c: {  	_ =	shalt  }
0x6d: {  	_ =	shalt  }
0x6e: {  	_ =	shalt  }
0x6f: {  	_ =	shalt  }
0x70: {  	_ =	shalt  }
0x71: {  	_ =	shalt  }
0x72: {  	_ =	shalt  }
0x73: {  	_ =	shalt  }
0x74: {  	_ =	shalt  }
0x75: {  	_ =	shalt  }
0x76: {  	_ =	shalt  }
0x77: {  	_ =	shalt  }
0x78: {  	_ =	shalt  }
0x79: {  	_ =	shalt  }
0x7a: {  	_ =	shalt  }
0x7b: {  	_ =	shalt  }
0x7c: {  	_ =	shalt  }
0x7d: {  	_ =	shalt  }
0x7e: {  	_ =	shalt  }
0x7f: {  	_ =	shalt  }
0x80: {  	_ =	shalt  }
0x81: {  	_ =	shalt  }
0x82: {  	_ =	shalt  }
0x83: {  	_ =	shalt  }
0x84: {  	_ =	shalt  }
0x85: {  	_ =	shalt  }
0x86: {  	_ =	shalt  }
0x87: {  	_ =	shalt  }
.Lfunc_end0:
.L_simem_size_0:
called_computation.1_lowered:
.L_overlay_start_0:
0x88: {  	s2 =	sld [smem:$0x3FD9]  }
0x89: {  	s3 =	sld [smem:$0x3FFE];
	_ =	sdelay $0x1  }
0x8a: {  	s1 =	srdreg.scid  }
0x8b: {  	s0 =	sand.u32 $0x1, s1  }
0x8c: {  	s17 =	sshll.u32 s0, $0xA;
	s2 =	sadd.s32 s3, s2  }
0x8d: {  	s2 =	sadd.s32 s2, s17  }
0x8e: {  	[smem:$0x3FC6] =	sst s2  }
0x8f: {  	_ = 	snop  }
0x90: {  	s2 =	sld [smem:$0x3FD0];
	(tm) =	ssettm $0x1  }
0x91: {  	s18 =	sld [smem:$0x3FFB];
	_ =	sdelay $0x3  }
0x92: {  	_ =	strace s18  }
0x93: {  	s3 =	sld [smem:$0x3FFC];
	_ =	sdelay $0x3  }
0x94: {  	_ =	strace s3  }
0x95: {  	s3 =	sld [smem:$0x3FFD];
	_ =	sdelay $0x3  }
0x96: {  	_ =	strace s3  }
0x97: {  	_ =	strace $0x8FFFFFFF  }
0x98: {  	s19 =	sld [smem:$0x3FDB];
	_ =	sdelay $0x1  }
0x99: {  	s4 =	simm.s32 $_scs_section_size  }
0x9a: {  	s5 =	simm.s32 $_size__tile_overlayer_lowered;
	s6 =	simm.s32 $_tile_overlayer_lowered  }
0x9b: {  	s22 =	simm.s32 $0x1BFF;
	s21 =	sshll.u32 s6, $0x1;
	s3 =	sadd.s32 s4, s19  }
0x9c: {  	s7 =	simm.s32 $0x0;
	s20 =	sshll.u32 s5, $0x1;
	s5 =	sadd.s32 s21, s3  }
0x9d: {  	[timem:s7], [sflag:s22] =	dma.local [hbm:s5], s20  }
0x9e: {  	_ =	swait.ge [sflag:s22], s20  }
0x9f: {  	s4 =	ssub.s32 $0x0, s20;
	[sflag:s22] =	ssyncset.done $0x0  }
0xa0: {  	[sflag:s22] =	ssyncadd.s32 s4;
	_ =	sdelay $0x1  }
0xa1: {  	s23 =	simm.s32 $0x1B8B  }
0xa2: {  	_ =	swait.ge [sflag:s23], $0x1  }
0xa3: {  	[sflag:s23] =	ssyncset.done $0x0  }
0xa4: {  	s25 =	simm.s32 $0x1B8E;
	s24 =	sld [smem:$0x3FFE];
	[sflag:s23] =	ssyncadd.s32 $0xFFFFFFFF  }
0xa5: {  	s26 =	simm.s32 $execute0_lowered;
	[smem:$0x3FD2] =	sst s25  }
0xa6: {  	s5 =	sshll.u32 s26, $0x1;
	_ =	strace $0x80000046;
	[dreg:$0x1] =	wrdreg $0xFFFFFFFF  }
0xa7: {  	s28 =	simm.s32 $_size_execute0_lowered;
	s3 =	sadd.s32 s3, s5;
	[dreg:$0x0] =	wrdreg $0x0  }
0xa8: {  	s5 =	sshll.u32 s28, $0x1;
	[dreg:$0x2] =	wrdreg s3  }
0xa9: {  	[dreg:$0x3] =	wrdreg s5  }
0xaa: {  	[dreg:$0x4] =	wrdreg $0xC0  }
0xab: {  	_ =	task [dreg:s7], $0x5FFFF  }
0xac: {  	[dreg:$0x1] =	wrdreg $0xFFFFFFFF  }
0xad: {  	[dreg:$0x0] =	wrdreg $0x60  }
0xae: {  	[dreg:$0x2] =	wrdreg s24  }
0xaf: {  	[dreg:$0x3] =	wrdreg s2  }
0xb0: {  	[dreg:$0x4] =	wrdreg $0x9  }
0xb1: {  	_ =	task.clear_ibuf [dreg:s7], $0x5FFFF;
	_ =	strace $0x90000046  }
0xb2: {  	s29 =	simm.s32 $0x9;
	_ =	strace $0x80000048  }
0xb3: {  	_ =	swait.ge [sflag:s29], $0x1  }
0xb4: {  	[sflag:s29] =	ssyncadd.s32 $0xFFFFFFFF  }
0xb5: {  	_ =	strace $0x90000048  }
0xb6: {  	_ =	sfence  }
0xb7: {  	s30 =	sld [smem:$0x0];
	_ =	sdelay $0x2  }
0xb8: {  	s31 =	sshll.u32 s1, $0xD;
	s1 =	sshrl.u32 s1, $0x2  }
0xb9: {  	s3 =	sand.u32 $0x4000, s31;
	s1 =	sadd.s32 s1, s30  }
0xba: {  	s0 =	sor.u32 s3, s0;
	s1 =	sshll.u32 s1, $0x11  }
0xbb: {  	s0 =	sor.u32 s1, s0  }
0xbc: {  	s0 =	sadd.s32 $0x8F2B, s0  }
0xbd: {  	[sflag:s0] =	ssyncadd.remote.s32 $0x1  }
0xbe: {  	_ =	sfence.sel $0xFFFF  }
0xbf: {  	[dreg:$0x0] =	wrdreg $0xFFFFFFFF;
	(pc) =	sbr.abs _section_cstart, $3  }
0xc0: {  	[dreg:$0x1] =	wrdreg $0xFFFFFFFF  }
0xc1: {  	_ =	task.clear_ibuf [dreg:s7], $0x2FFFF;
	_ =	strace $0x9FFFFFFF  }
0xc2: {  	(tm) =	ssettm $0x7FFFFFFF  }
0xc3: {  	_ =	shalt  }
tec
execute0_lowered:
.L_overlay_start_1:
0x0: {  	(tag) =	ssettag $0x1  }
0x1: {  	s1 =	srdreg.scid  }
0x2: {  	s0 =	stileid.u32;
	s4 =	rddreg [dreg:$0x0]  }
0x3: {  	s2 =	rddreg [dreg:$0x1];
	s3 =	simm.s32 $0x0;
	s9 =	simm.s32 $0x80  }
0x4: {  	s10 =	simm.s32 $0x1900;
	s11 =	simm.s32 $0x3900;
	s12 =	simm.s32 $0x1  }
0x5: {  	s13 =	simm.s32 $0x2;
	s5 =	sand.u32 $0x1, s1;
	s31 =	sshll.u32 s0, $0x1  }
0x6: {  	s14 =	simm.s32 $0x0;
	s1 =	rddreg [dreg:$0x2];
	s6 =	sor.u32 s5, s31  }
0x7: {  	[smem:$0x7FF] =	sst s3;
	s5 =	ssub.s32 $0x2, s5;
	s7 =	smul.u32 $0x320, s6  }
0x8: {  	_ =	strace $0x80000047;
	s8 =	sshrl.u32 s5, $0x1;
	s6 =	smul.u32 $0x64000, s6  }
0x9: {  	s8 =	ssub.s32 s5, s8;
	s7 =	sadd.s32 s7, s4;
	s4 =	sadd.s32 $0xF42E00, s4  }
0xa: {  	s5 =	sadd.s32 $0xA00, s7;
	s7 =	smax.u32 s8, $0x1;
	s8 =	simm.s32 $0x3  }
.LBB2_1:
0xb: {  	[tilespmem:s3], [sflag:$0x3] =	stream.linear.gather [hbm4b:s5+s3], $0x1900, $0x38;
	[tilespmem:$0x5900] =	vst v63  }
0xc: {  	_ =	swait.ge [sflag:s8], $0x1900  }
0xd: {  	[sflag:s8] =	ssyncset.done $0x0  }
0xe: {  	s15 =	simm.s32 $0x0;
	[sflag:s8] =	ssyncadd.s32 $0xFFFFE700  }
0xf: {  	[tilespmem:s10], [sflag:$0x1] =	stream.indirect.gather [hbm4b:s4+s9], $0x40, s3, s9, $0xb8;
	[tilespmem:$0x5900] =	vst v63  }
.LBB2_2:
0x10: {  	s16 =	sshllo.u32 s15, $0x1  }
0x11: {  	s17 =	sshll.u32 s16, $0x7  }
0x12: {  	s17 =	sand.u32 $0x3FFFFF80, s17  }
0x13: {  	[tilespmem:s11], [sflag:$0x2] =	stream.indirect.gather [hbm4b:s4+s9], $0x40, s17, s9, $0xb8;
	[tilespmem:$0x5900] =	vst v63  }
0x14: {  	_ =	swait.ge [sflag:s12], $0x2000  }
0x15: {  	[sflag:s12] =	ssyncset.done $0x0  }
0x16: {  	s17 =	simm.s32 $0x0;
	[sflag:s12] =	ssyncadd.s32 $0xFFFFE000  }
0x17: {  	v0 =	vld [tilespmem:s17+$0x1900]  }
0x18: {  	v1 =	vld [tilespmem:s17+$0x1910]  }
0x19: {  	v2 =	vld [tilespmem:s17+$0x1920]  }
0x1a: {  	v3 =	vld [tilespmem:s17+$0x1930]  }
0x1b: {  	v4 =	vld [tilespmem:s17+$0x1940]  }
0x1c: {  	v5 =	vld [tilespmem:s17+$0x1950];
	v0 =	vmul.f32 $8.000000000e+00, v0  }
0x1d: {  	v6 =	vld [tilespmem:s17+$0x1960];
	v1 =	vmul.f32 $8.000000000e+00, v1  }
0x1e: {  	v7 =	vld [tilespmem:s17+$0x1970];
	[tilespmem:s17+$0x1900] =	vst v0;
	v0 =	vmul.f32 $8.000000000e+00, v2  }
0x1f: {  	v8 =	vld [tilespmem:s17+$0x1980];
	[tilespmem:s17+$0x1910] =	vst v1;
	v1 =	vmul.f32 $8.000000000e+00, v3  }
0x20: {  	v9 =	vld [tilespmem:s17+$0x1990];
	[tilespmem:s17+$0x1920] =	vst v0;
	v0 =	vmul.f32 $8.000000000e+00, v4  }
0x21: {  	v2 =	vmul.f32 $8.000000000e+00, v5;
	[tilespmem:s17+$0x1930] =	vst v1;
	v1 =	vld [tilespmem:s17+$0x19A0]  }
0x22: {  	v3 =	vmul.f32 $8.000000000e+00, v6;
	[tilespmem:s17+$0x1940] =	vst v0;
	v0 =	vld [tilespmem:s17+$0x19B0]  }
0x23: {  	[tilespmem:s17+$0x1950] =	vst v2;
	v2 =	vld [tilespmem:s17+$0x19C0];
	v4 =	vmul.f32 $8.000000000e+00, v7  }
0x24: {  	v6 =	vmul.f32 $8.000000000e+00, v8;
	[tilespmem:s17+$0x1960] =	vst v3;
	v3 =	vld [tilespmem:s17+$0x19D0]  }
0x25: {  	s18 =	simm.s32 $0x400;
	v5 =	vmul.f32 $8.000000000e+00, v9;
	[tilespmem:s17+$0x1970] =	vst v4;
	v4 =	vld [tilespmem:s17+$0x19E0]  }
.LBB2_3:
0x26: {  	s19 =	sshra.s32 s18, $0x2;
	p0 =	sne.s32 s18, $0x7C00;
	[tilespmem:s17+$0x1980] =	vst v6;
	v1 =	vmul.f32 $8.000000000e+00, v1;
	v6 =	vld [tilespmem:s17+$0x19F0]  }
0x27: {  	v7 =	vld [tilespmem:s19+$0x1900];
	[tilespmem:s17+$0x1990] =	vst v5;
	v0 =	vmul.f32 $8.000000000e+00, v0  }
0x28: {  	v5 =	vld [tilespmem:s19+$0x1910];
	[tilespmem:s17+$0x19A0] =	vst v1;
	v1 =	vmul.f32 $8.000000000e+00, v2  }
0x29: {  	v2 =	vld [tilespmem:s19+$0x1920];
	[tilespmem:s17+$0x19B0] =	vst v0;
	v0 =	vmul.f32 $8.000000000e+00, v3  }
0x2a: {  	v3 =	vld [tilespmem:s19+$0x1930];
	[tilespmem:s17+$0x19C0] =	vst v1;
	v1 =	vmul.f32 $8.000000000e+00, v4  }
0x2b: {  	v4 =	vld [tilespmem:s19+$0x1940];
	[tilespmem:s17+$0x19D0] =	vst v0;
	v0 =	vmul.f32 $8.000000000e+00, v6  }
0x2c: {  	v6 =	vmul.f32 $8.000000000e+00, v7;
	v7 =	vld [tilespmem:s19+$0x1950];
	[tilespmem:s17+$0x19E0] =	vst v1  }
0x2d: {  	v1 =	vmul.f32 $8.000000000e+00, v5;
	v5 =	vld [tilespmem:s19+$0x1960];
	[tilespmem:s17+$0x19F0] =	vst v0;
	s17 =	smov.u32 s19  }
0x2e: {  	[tilespmem:s17+$0x1900] =	vst v6;
	v0 =	vmul.f32 $8.000000000e+00, v2;
	v2 =	vld [tilespmem:s17+$0x1970]  }
0x2f: {  	[tilespmem:s17+$0x1910] =	vst v1;
	v1 =	vmul.f32 $8.000000000e+00, v3;
	v3 =	vld [tilespmem:s17+$0x1980]  }
0x30: {  	[tilespmem:s17+$0x1920] =	vst v0;
	v0 =	vmul.f32 $8.000000000e+00, v4;
	v4 =	vld [tilespmem:s17+$0x1990]  }
.Ltmp0:
0x31: {  	[tilespmem:s17+$0x1930] =	vst v1;
	v6 =	vmul.f32 $8.000000000e+00, v7;
	v1 =	vld [tilespmem:s17+$0x19A0];
	(pc) =	sbr.rel @p0 .LBB2_3-.Ltmp0, $4  }
0x32: {  	[tilespmem:s17+$0x1940] =	vst v0;
	v5 =	vmul.f32 $8.000000000e+00, v5;
	v0 =	vld [tilespmem:s17+$0x19B0]  }
0x33: {  	[tilespmem:s17+$0x1950] =	vst v6;
	v7 =	vmul.f32 $8.000000000e+00, v2;
	v2 =	vld [tilespmem:s17+$0x19C0]  }
0x34: {  	[tilespmem:s17+$0x1960] =	vst v5;
	v6 =	vmul.f32 $8.000000000e+00, v3;
	v3 =	vld [tilespmem:s17+$0x19D0]  }
0x35: {  	s18 =	sadd.s32 $0x400, s18;
	[tilespmem:s17+$0x1970] =	vst v7;
	v5 =	vmul.f32 $8.000000000e+00, v4;
	v4 =	vld [tilespmem:s17+$0x19E0]  }
0x36: {  	[tilespmem:s17+$0x1980] =	vst v6;
	v1 =	vmul.f32 $8.000000000e+00, v1;
	v6 =	vld [tilespmem:s17+$0x19F0]  }
0x37: {  	[tilespmem:s17+$0x1990] =	vst v5;
	v0 =	vmul.f32 $8.000000000e+00, v0  }
0x38: {  	[tilespmem:s17+$0x19A0] =	vst v1;
	v1 =	vmul.f32 $8.000000000e+00, v2  }
0x39: {  	[tilespmem:s17+$0x19B0] =	vst v0;
	v0 =	vmul.f32 $8.000000000e+00, v3  }
0x3a: {  	s18 =	sshll.u32 s15, $0xE;
	[tilespmem:s17+$0x19C0] =	vst v1;
	v1 =	vmul.f32 $8.000000000e+00, v4  }
0x3b: {  	s18 =	sadd.s32 s6, s18;
	[tilespmem:s17+$0x19D0] =	vst v0;
	v0 =	vmul.f32 $8.000000000e+00, v6  }
0x3c: {  	s18 =	sshrl.u32 s18, $0x3;
	[tilespmem:s17+$0x19E0] =	vst v1  }
0x3d: {  	p0 =	seq.s32 s15, $0x18;
	s31 =	sadd.s32 s2, s18;
	[tilespmem:s17+$0x19F0] =	vst v0  }
0x3e: {  	[hbm4b:s31+s3] =	stream.linear.scatter [tilespmem:s10], [sflag:$0x3], $0x2000, $0x38;
	[tilespmem:$0x5900] =	vst v63  }
0x3f: {  	s17 =	sshll.u32 @!p0 s15, $0x8;
	_ =	swait.ge [sflag:s8], $0x2000  }
0x40: {  	s19 =	simm.s32 @!p0 $0x1900;
	s17 =	sand.u32 @!p0 $0x3FFFFF00, s17;
	[sflag:s8] =	ssyncset.done $0x0  }
0x41: {  	s18 =	simm.s32 @!p0 $0x80;
	s17 =	sadd.s32 @!p0 $0x100, s17;
	[sflag:s8] =	ssyncadd.s32 $0xFFFFE000  }
0x42: {  	[tilespmem:s19], [sflag:$0x1] =	stream.indirect.gather @!p0 [hbm4b:s4+s18], $0x40, s17, s18, $0xb8;
	[tilespmem:$0x5900] =	vst v63  }
0x43: {  	_ =	swait.ge [sflag:s13], $0x2000  }
0x44: {  	[sflag:s13] =	ssyncset.done $0x0  }
0x45: {  	s17 =	simm.s32 $0x0;
	[sflag:s13] =	ssyncadd.s32 $0xFFFFE000  }
0x46: {  	v0 =	vld [tilespmem:s17+$0x3900]  }
0x47: {  	v1 =	vld [tilespmem:s17+$0x3910]  }
0x48: {  	v2 =	vld [tilespmem:s17+$0x3920]  }
0x49: {  	v3 =	vld [tilespmem:s17+$0x3930]  }
0x4a: {  	v4 =	vld [tilespmem:s17+$0x3940]  }
0x4b: {  	v5 =	vld [tilespmem:s17+$0x3950];
	v0 =	vmul.f32 $8.000000000e+00, v0  }
0x4c: {  	v6 =	vld [tilespmem:s17+$0x3960];
	v1 =	vmul.f32 $8.000000000e+00, v1  }
0x4d: {  	v7 =	vld [tilespmem:s17+$0x3970];
	[tilespmem:s17+$0x3900] =	vst v0;
	v0 =	vmul.f32 $8.000000000e+00, v2  }
0x4e: {  	v8 =	vld [tilespmem:s17+$0x3980];
	[tilespmem:s17+$0x3910] =	vst v1;
	v1 =	vmul.f32 $8.000000000e+00, v3  }
0x4f: {  	v9 =	vld [tilespmem:s17+$0x3990];
	[tilespmem:s17+$0x3920] =	vst v0;
	v0 =	vmul.f32 $8.000000000e+00, v4  }
0x50: {  	v2 =	vmul.f32 $8.000000000e+00, v5;
	[tilespmem:s17+$0x3930] =	vst v1;
	v1 =	vld [tilespmem:s17+$0x39A0]  }
0x51: {  	v3 =	vmul.f32 $8.000000000e+00, v6;
	[tilespmem:s17+$0x3940] =	vst v0;
	v0 =	vld [tilespmem:s17+$0x39B0]  }
0x52: {  	[tilespmem:s17+$0x3950] =	vst v2;
	v2 =	vld [tilespmem:s17+$0x39C0];
	v4 =	vmul.f32 $8.000000000e+00, v7  }
0x53: {  	v6 =	vmul.f32 $8.000000000e+00, v8;
	[tilespmem:s17+$0x3960] =	vst v3;
	v3 =	vld [tilespmem:s17+$0x39D0]  }
0x54: {  	s18 =	simm.s32 $0x400;
	v5 =	vmul.f32 $8.000000000e+00, v9;
	[tilespmem:s17+$0x3970] =	vst v4;
	v4 =	vld [tilespmem:s17+$0x39E0]  }
.LBB2_5:
0x55: {  	s19 =	sshra.s32 s18, $0x2;
	p0 =	sne.s32 s18, $0x7C00;
	[tilespmem:s17+$0x3980] =	vst v6;
	v1 =	vmul.f32 $8.000000000e+00, v1;
	v6 =	vld [tilespmem:s17+$0x39F0]  }
0x56: {  	v7 =	vld [tilespmem:s19+$0x3900];
	[tilespmem:s17+$0x3990] =	vst v5;
	v0 =	vmul.f32 $8.000000000e+00, v0  }
0x57: {  	v5 =	vld [tilespmem:s19+$0x3910];
	[tilespmem:s17+$0x39A0] =	vst v1;
	v1 =	vmul.f32 $8.000000000e+00, v2  }
0x58: {  	v2 =	vld [tilespmem:s19+$0x3920];
	[tilespmem:s17+$0x39B0] =	vst v0;
	v0 =	vmul.f32 $8.000000000e+00, v3  }
0x59: {  	v3 =	vld [tilespmem:s19+$0x3930];
	[tilespmem:s17+$0x39C0] =	vst v1;
	v1 =	vmul.f32 $8.000000000e+00, v4  }
0x5a: {  	v4 =	vld [tilespmem:s19+$0x3940];
	[tilespmem:s17+$0x39D0] =	vst v0;
	v0 =	vmul.f32 $8.000000000e+00, v6  }
0x5b: {  	v6 =	vmul.f32 $8.000000000e+00, v7;
	v7 =	vld [tilespmem:s19+$0x3950];
	[tilespmem:s17+$0x39E0] =	vst v1  }
0x5c: {  	v1 =	vmul.f32 $8.000000000e+00, v5;
	v5 =	vld [tilespmem:s19+$0x3960];
	[tilespmem:s17+$0x39F0] =	vst v0;
	s17 =	smov.u32 s19  }
0x5d: {  	[tilespmem:s17+$0x3900] =	vst v6;
	v0 =	vmul.f32 $8.000000000e+00, v2;
	v2 =	vld [tilespmem:s17+$0x3970]  }
0x5e: {  	[tilespmem:s17+$0x3910] =	vst v1;
	v1 =	vmul.f32 $8.000000000e+00, v3;
	v3 =	vld [tilespmem:s17+$0x3980]  }
0x5f: {  	[tilespmem:s17+$0x3920] =	vst v0;
	v0 =	vmul.f32 $8.000000000e+00, v4;
	v4 =	vld [tilespmem:s17+$0x3990]  }
.Ltmp1:
0x60: {  	[tilespmem:s17+$0x3930] =	vst v1;
	v6 =	vmul.f32 $8.000000000e+00, v7;
	v1 =	vld [tilespmem:s17+$0x39A0];
	(pc) =	sbr.rel @p0 .LBB2_5-.Ltmp1, $4  }
0x61: {  	[tilespmem:s17+$0x3940] =	vst v0;
	v5 =	vmul.f32 $8.000000000e+00, v5;
	v0 =	vld [tilespmem:s17+$0x39B0]  }
0x62: {  	[tilespmem:s17+$0x3950] =	vst v6;
	v7 =	vmul.f32 $8.000000000e+00, v2;
	v2 =	vld [tilespmem:s17+$0x39C0]  }
0x63: {  	[tilespmem:s17+$0x3960] =	vst v5;
	v6 =	vmul.f32 $8.000000000e+00, v3;
	v3 =	vld [tilespmem:s17+$0x39D0]  }
0x64: {  	s18 =	sadd.s32 $0x400, s18;
	[tilespmem:s17+$0x3970] =	vst v7;
	v5 =	vmul.f32 $8.000000000e+00, v4;
	v4 =	vld [tilespmem:s17+$0x39E0]  }
0x65: {  	[tilespmem:s17+$0x3980] =	vst v6;
	v1 =	vmul.f32 $8.000000000e+00, v1;
	v59 =	vld [tilespmem:s17+$0x39F0]  }
0x66: {  	[tilespmem:s17+$0x3990] =	vst v5;
	v0 =	vmul.f32 $8.000000000e+00, v0  }
0x67: {  	[tilespmem:s17+$0x39A0] =	vst v1;
	v60 =	vmul.f32 $8.000000000e+00, v2  }
0x68: {  	[tilespmem:s17+$0x39B0] =	vst v0;
	v61 =	vmul.f32 $8.000000000e+00, v3  }
0x69: {  	s16 =	sshll.u32 s16, $0xD;
	[tilespmem:s17+$0x39C0] =	vst v60;
	v62 =	vmul.f32 $8.000000000e+00, v4  }
0x6a: {  	s15 =	sadd.s32 $0x1, s15;
	s16 =	sadd.s32 s6, s16;
	[tilespmem:s17+$0x39D0] =	vst v61;
	v63 =	vmul.f32 $8.000000000e+00, v59  }
0x6b: {  	p0 =	sne.s32 s15, $0x19;
	s16 =	sshrl.u32 s16, $0x3;
	[tilespmem:s17+$0x39E0] =	vst v62  }
.Ltmp2:
0x6c: {  	s16 =	sadd.s32 s2, s16;
	[tilespmem:s17+$0x39F0] =	vst v63;
	(pc) =	sbr.rel @p0 .LBB2_2-.Ltmp2, $4  }
0x6d: {  	[hbm4b:s16+s3] =	stream.linear.scatter [tilespmem:s11], [sflag:$0x3], $0x2000, $0x38;
	[tilespmem:$0x5900] =	vst v63  }
0x6e: {  	_ =	swait.ge [sflag:s8], $0x2000  }
0x6f: {  	[sflag:s8] =	ssyncset.done $0x0  }
0x70: {  	[sflag:s8] =	ssyncadd.s32 $0xFFFFE000  }
0x71: {  	s14 =	sadd.s32 $0x1, s14  }
0x72: {  	p0 =	sne.s32 s14, s7  }
.Ltmp3:
0x73: {  	_ = 	snop;
	(pc) =	sbr.rel @p0 .LBB2_1-.Ltmp3, $1  }
0x74: {  	_ =	sdelay $0x3  }
0x75: {  	_ =	sfence.sel $0x180000  }
0x76: {  	[bflag:$0x0] =	sbarrier.arrive $0xFFFF  }
0x77: {  	p0 =	sne.s32 s0, $0x0;
	_ =	strace $0x90000047  }
0x78: {  	s0 =	sadd.s32 @!p0 $0x100000, s1;
	[bflag:$0x2] =	sbarrier.arrive $0xFFFF  }
0x79: {  	[sflag:s0] =	ssyncadd.tile.s32 @!p0 $0x1;
	_ =	shalt  }
.Lfunc_end2:
_tile_overlayer_lowered:
.L_overlay_start_2:
0x7a: {  	(tag) =	ssettag $0x2  }
0x7b: {  	s0 =	rddreg [dreg:$0x0];
	s2 =	stileid.u32  }
0x7c: {  	s1 =	rddreg [dreg:$0x1];
	p0 =	sne.s32 s2, $0x0  }
0x7d: {  	s3 =	rddreg [dreg:$0x2];
	[bflag:$0x3] =	sbarrier.arrive $0xFFFF;
	s2 =	simm.s32 @!p0 $0x1C03  }
0x7e: {  	[timem:s3], [sflag:s2] =	dma.local @!p0 [hbm:s0], s1  }
0x7f: {  	s0 =	simm.s32 @!p0 $0x3  }
0x80: {  	_ =	swait.ge @!p0 [sflag:s0], s1  }
0x81: {  	s1 =	ssub.s32 @!p0 $0x0, s1;
	[sflag:s0] =	ssyncset.done @!p0 $0x0  }
0x82: {  	[sflag:s0] =	ssyncadd.s32 @!p0 s1  }
0x83: {  	[bflag:$0x3] =	sbarrier.arrive $0xFFFF  }
0x84: {  	_ =	shalt  }

// kernel: sparse-core-data-format-call.cloned.1.call-start
scs
called_computation_lowered:
.L_overlay_start_0:
0x0: {  	s2 =	sld [smem:$0x3FD9]  }
0x1: {  	s3 =	sld [smem:$0x3FFE];
	_ =	sdelay $0x1  }
0x2: {  	s1 =	srdreg.scid  }
0x3: {  	s0 =	sand.u32 $0x1, s1  }
0x4: {  	s18 =	sshll.u32 s0, $0xA;
	s2 =	sadd.s32 s3, s2  }
0x5: {  	s2 =	sadd.s32 s2, s18  }
0x6: {  	[smem:$0x3FC6] =	sst s2  }
0x7: {  	_ = 	snop  }
0x8: {  	s2 =	sld [smem:$0x3FD0];
	(tm) =	ssettm $0x1  }
0x9: {  	s19 =	sld [smem:$0x3FFB];
	_ =	sdelay $0x3  }
0xa: {  	_ =	strace s19  }
0xb: {  	s3 =	sld [smem:$0x3FFC];
	_ =	sdelay $0x3  }
0xc: {  	_ =	strace s3  }
0xd: {  	s3 =	sld [smem:$0x3FFD];
	_ =	sdelay $0x3  }
0xe: {  	_ =	strace s3  }
0xf: {  	_ =	strace $0x8FFFFFFF  }
0x10: {  	s20 =	sld [smem:$0x3FDB];
	_ =	sdelay $0x1  }
0x11: {  	s4 =	simm.s32 $_scs_section_size  }
0x12: {  	s5 =	simm.s32 $_size__tile_overlayer_lowered;
	s6 =	simm.s32 $_tile_overlayer_lowered  }
0x13: {  	s23 =	simm.s32 $0x1BFF;
	s22 =	sshll.u32 s6, $0x1;
	s3 =	sadd.s32 s4, s20  }
0x14: {  	s7 =	simm.s32 $0x0;
	s21 =	sshll.u32 s5, $0x1;
	s5 =	sadd.s32 s22, s3  }
0x15: {  	[timem:s7], [sflag:s23] =	dma.local [hbm:s5], s21  }
0x16: {  	_ =	swait.ge [sflag:s23], s21  }
0x17: {  	s4 =	ssub.s32 $0x0, s21;
	[sflag:s23] =	ssyncset.done $0x0  }
0x18: {  	[sflag:s23] =	ssyncadd.s32 s4;
	_ =	sdelay $0x1  }
0x19: {  	s24 =	simm.s32 $0x1B8B  }
0x1a: {  	_ =	swait.ge [sflag:s24], $0x1  }
0x1b: {  	[sflag:s24] =	ssyncset.done $0x0  }
0x1c: {  	s26 =	simm.s32 $0x1B8E;
	s25 =	sld [smem:$0x3FFE];
	[sflag:s24] =	ssyncadd.s32 $0xFFFFFFFF  }
0x1d: {  	s27 =	simm.s32 $execute0_lowered;
	[smem:$0x3FD2] =	sst s26  }
0x1e: {  	s5 =	sshll.u32 s27, $0x1;
	_ =	strace $0x80000049;
	[dreg:$0x1] =	wrdreg $0xFFFFFFFF  }
0x1f: {  	s28 =	simm.s32 $_size_execute0_lowered;
	s3 =	sadd.s32 s3, s5;
	[dreg:$0x0] =	wrdreg $0x0  }
0x20: {  	s5 =	sshll.u32 s28, $0x1;
	[dreg:$0x2] =	wrdreg s3  }
0x21: {  	[dreg:$0x3] =	wrdreg s5  }
0x22: {  	[dreg:$0x4] =	wrdreg $0xC0  }
0x23: {  	_ =	task [dreg:s7], $0x5FFFF  }
0x24: {  	[dreg:$0x1] =	wrdreg $0xFFFFFFFF  }
0x25: {  	[dreg:$0x0] =	wrdreg $0x60  }
0x26: {  	[dreg:$0x2] =	wrdreg s25  }
0x27: {  	[dreg:$0x3] =	wrdreg s2  }
0x28: {  	[dreg:$0x4] =	wrdreg $0x9  }
0x29: {  	_ =	task.clear_ibuf [dreg:s7], $0x5FFFF;
	_ =	strace $0x90000049  }
0x2a: {  	s29 =	simm.s32 $0x9;
	_ =	strace $0x8000004B  }
0x2b: {  	_ =	swait.ge [sflag:s29], $0x1  }
0x2c: {  	[sflag:s29] =	ssyncadd.s32 $0xFFFFFFFF  }
0x2d: {  	_ =	strace $0x9000004B  }
0x2e: {  	_ =	sfence  }
0x2f: {  	s30 =	sld [smem:$0x0];
	_ =	sdelay $0x2  }
0x30: {  	s31 =	sshll.u32 s1, $0xD;
	s1 =	sshrl.u32 s1, $0x2  }
0x31: {  	s3 =	sand.u32 $0x4000, s31;
	s1 =	sadd.s32 s1, s30  }
0x32: {  	s0 =	sor.u32 s3, s0;
	s1 =	sshll.u32 s1, $0x11  }
0x33: {  	s0 =	sor.u32 s1, s0  }
0x34: {  	s0 =	sadd.s32 $0x8F2B, s0  }
0x35: {  	[sflag:s0] =	ssyncadd.remote.s32 $0x1  }
0x36: {  	_ =	sfence.sel $0xFFFF  }
0x37: {  	[dreg:$0x0] =	wrdreg $0xFFFFFFFF;
	(pc) =	sbr.abs _section_cstart, $3  }
0x38: {  	[dreg:$0x1] =	wrdreg $0xFFFFFFFF  }
0x39: {  	_ =	task.clear_ibuf [dreg:s7], $0x2FFFF;
	_ =	strace $0x9FFFFFFF  }
0x3a: {  	(tm) =	ssettm $0x7FFFFFFF  }
0x3b: {  	_ =	shalt  }
tec
execute0_lowered:
.L_overlay_start_1:
0x0: {  	(tag) =	ssettag $0x1  }
0x1: {  	s0 =	srdreg.scid  }
0x2: {  	s1 =	sshll.u32 s0, $0x4  }
0x3: {  	s0 =	stileid.u32;
	s1 =	sand.u32 $0x10, s1  }
0x4: {  	s1 =	sor.u32 s0, s1  }
0x5: {  	s6 =	rddreg [dreg:$0x0];
	s4 =	simm.s32 $0x1;
	s2 =	sshll.u32 s1, $0x7  }
0x6: {  	s7 =	simm.s32 $0x2;
	s12 =	simm.s32 $0x0;
	s1 =	ssub.s32 $0x1000, s2  }
0x7: {  	s8 =	simm.s32 $0x8000;
	s13 =	simm.s32 $0x0;
	s3 =	sand.u32 $0xF80, s1  }
0x8: {  	s9 =	simm.s32 $0x0;
	s5 =	sshrl.u32 s1, $0xC;
	p0 =	sne.s32 s3, $0x0  }
.Ltmp0:
0x9: {  	s1 =	rddreg [dreg:$0x2];
	s4 =	simm.s32 @!p0 $0x0;
	(pc) =	sbr.rel .LBB1_1-.Ltmp0, $4  }
0xa: {  	s11 =	simm.s32 $0x0;
	s3 =	rddreg [dreg:$0x1];
	s5 =	sadd.s32 s4, s5  }
0xb: {  	_ =	strace $0x8000004A;
	s4 =	simm.s32 $0x1;
	s5 =	smul.u32 $0x32, s5  }
0xc: {  	s6 =	sadd.s32 $0xA00, s6;
	s10 =	smov.u32 s2;
	[sflag:s4] =	ssyncpa.u1 $0x0  }
0xd: {  	p0 =	por $0x0, $0x0;
	[sflag:s7] =	ssyncpa.u1 $0x0;
	s7 =	sor.u32 $0x1, s5  }
.LBB1_4:
0xe: {  	s16 =	sshll.u32 s13, $0x3;
	s17 =	sand.u32 $0x78, s13  }
0xf: {  	s30 =	sand.u32 $0x7E00, s13;
	s12 =	sshll.u32 s12, $0xF;
	s16 =	sand.u32 $0xC00, s16  }
0x10: {  	[tilespmem:s15+$0x810 ss:$0x81] =	vst.msk $0xffff, v2;
	s31 =	sand.u32 $0x7, s13;
	s16 =	sor.u32 s17, s16;
	s17 =	sadd.s32 s3, s30  }
0x11: {  	[tilespmem:s15+$0x1020 ss:$0x81] =	vst.msk $0xffff, v0;
	s13 =	sshll.u32 s31, $0x12;
	s12 =	sadd.s32 s12, s17;
	s16 =	sshrl.u32 s16, $0x3  }
0x12: {  	[tilespmem:s15+$0x0 ss:$0x81] =	vst.msk $0xffff, v1;
	s13 =	sor.u32 $0x400, s13;
	s12 =	sadd.s32 s16, s12  }
0x13: {  	[hbm4b:s12+s13] =	stream.strided.scatter [tilespmem:s14], [sflag:$0x2], $0x2000, s8, s13, $0x20;
	[tilespmem:$0x8080] =	vst v63  }
.LBB1_5:
0x14: {  	s14 =	sadd.s32 $0x1, s9  }
0x15: {  	s12 =	sadd.s32 $0x1000, s10;
	s16 =	smov.u32 s10;
	p2 =	sgt.s32 s14, $0x31  }
0x16: {  	s16 =	smov.u32 @p2 s12  }
0x17: {  	s14 =	simm.s32 @p2 $0x0;
	p2 =	sgt.s32 s16, $0xFFF  }
0x18: {  	s16 =	smov.u32 @p2 s2;
	p2 =	sne.s32 s11, s7  }
.Ltmp1:
0x19: {  	p1 =	slt.u32 s11, $0x2;
	(pc) =	sbr.rel @!p2 .LBB1_6-.Ltmp1, $4  }
0x1a: {  	s15 =	simm.s32 @!p1 $0x2  }
0x1b: {  	s13 =	smov.u32 s10;
	p0 =	por !p0, !p0;
	_ =	swait.ge @!p1 [sflag:s15], $0x2000  }
0x1c: {  	s12 =	smov.u32 s9;
	[sflag:s15] =	ssyncset.done @!p1 $0x0;
	s9 =	smov.u32 s14  }
0x1d: {  	s11 =	sadd.s32 $0x1, s11;
	[sflag:s15] =	ssyncadd.s32 @!p1 $0xFFFFE000;
	s10 =	smov.u32 s16  }
.LBB1_1:
0x1e: {  	p1 =	sge.u32 s11, s5  }
0x1f: {  	s14 =	sand.u32 @!p1 $0x1FFFFFF, s9  }
0x20: {  	s15 =	smulhi.u32 @!p1 $0x4924925, s14;
	_ =	sdelay $0x1  }
0x21: {  	s15 =	smul.u32 @!p1 $0x38, s15  }
0x22: {  	s16 =	sxor.u32 @!p1 $0xFFFFFFFF, s11;
	s17 =	smul.u32 @!p1 $0x380, s10  }
0x23: {  	s31 =	sadd.s32 $0xFFFFFFFF, s11;
	s16 =	sshll.u32 @!p1 s16, $0xD;
	s14 =	ssub.s32 @!p1 s14, s15  }
0x24: {  	s15 =	sand.u32 @!p1 $0x2000, s16;
	s16 =	sadd.s32 @!p1 s6, s17;
	s14 =	sshll.u32 @!p1 s14, $0x4  }
0x25: {  	s17 =	simm.s32 @!p1 $0x1C00;
	s14 =	sadd.s32 @!p1 s14, s16;
	s16 =	simm.s32 @!p1 $0x40  }
0x26: {  	[tilespmem:s15], [sflag:$0x1] =	stream.strided.gather @!p1 [hbm4b:s14+s16], $0x2000, s17, s16, $0x38;
	[tilespmem:$0x8080] =	vst v63  }
0x27: {  	p1 =	sge.u32 s31, s5  }
.Ltmp2:
0x28: {  	_ = 	snop;
	(pc) =	sbr.rel @p1 .LBB1_5-.Ltmp2, $1  }
0x29: {  	_ =	sdelay $0x3  }
0x2a: {  	s14 =	simm.s32 $0x1  }
0x2b: {  	_ =	swait.ge [sflag:s4], $0x2000;
	s14 =	simm.s32 @!p0 $0x0  }
0x2c: {  	[sflag:s4] =	ssyncset.done $0x0;
	s15 =	sshll.u32 s14, $0xD  }
0x2d: {  	[sflag:s4] =	ssyncadd.s32 $0xFFFFE000;
	s18 =	sor.u32 $0x20, s15  }
0x2e: {  	s14 =	smul.u32 $0x8100, s14;
	v3 =	vld [tilespmem:s18+$0x10]  }
0x2f: {  	s30 =	sand.u32 $0x1, s11;
	v2 =	vld [tilespmem:s18+$0xFFFFFFF0]  }
0x30: {  	s15 =	smul.u32 $0x8100, s30;
	s14 =	sshrl.u32 s14, $0x2;
	v0 =	vld [tilespmem:s18+$0x0]  }
0x31: {  	v1 =	vld [tilespmem:s18+$0xFFFFFFE0];
	s16 =	sor.u32 $0x4000, s14  }
0x32: {  	s31 =	sshrl.u32 s15, $0x2;
	s15 =	sadd.s32 $0x0, s16  }
0x33: {  	s17 =	simm.s32 $0x4;
	s18 =	sadd.s32 $0x40, s18;
	s14 =	sor.u32 $0x4000, s31;
	[tilespmem:s15+$0x1830 ss:$0x81] =	vst.msk $0xffff, v3  }
.LBB1_3:
0x34: {  	v3 =	vld [tilespmem:s18+$0x10];
	p1 =	sne.s32 s17, $0x1FC;
	[tilespmem:s15+$0x810 ss:$0x81] =	vst.msk $0xffff, v2;
	s19 =	smov.u32 s17;
	s17 =	sadd.s32 $0x4, s17  }
.Ltmp3:
0x35: {  	v2 =	vld [tilespmem:s18+$0xFFFFFFF0];
	[tilespmem:s15+$0x1020 ss:$0x81] =	vst.msk $0xffff, v0;
	(pc) =	sbr.rel @p1 .LBB1_3-.Ltmp3, $4  }
0x36: {  	v0 =	vld [tilespmem:s18+$0x0];
	[tilespmem:s15+$0x0 ss:$0x81] =	vst.msk $0xffff, v1  }
0x37: {  	s15 =	sshra.s32 s19, $0x2;
	v1 =	vld [tilespmem:s18+$0xFFFFFFE0]  }
0x38: {  	s15 =	sadd.s32 s15, s16  }
0x39: {  	s18 =	sadd.s32 $0x40, s18;
	[tilespmem:s15+$0x1830 ss:$0x81] =	vst.msk $0xffff, v3  }
.Ltmp4:
0x3a: {  	_ = 	snop;
	(pc) =	sbr.rel .LBB1_4-.Ltmp4, $1  }
0x3b: {  	_ =	sdelay $0x3  }
.LBB1_6:
0x3c: {  	_ =	sfence.sel $0x180000  }
0x3d: {  	s2 =	simm.s32 $0x1;
	[bflag:$0x0] =	sbarrier.arrive $0xFFFF  }
0x3e: {  	s31 =	simm.s32 $0x2;
	[sflag:s2] =	ssyncpa.u1 $0x1  }
0x3f: {  	[sflag:s31] =	ssyncpa.u1 $0x1  }
0x40: {  	p0 =	sne.s32 s0, $0x0;
	_ =	strace $0x9000004A  }
0x41: {  	s0 =	sadd.s32 @!p0 $0x100000, s1;
	[bflag:$0x2] =	sbarrier.arrive $0xFFFF  }
0x42: {  	[sflag:s0] =	ssyncadd.tile.s32 @!p0 $0x1;
	_ =	shalt  }
.Lfunc_end1:
_tile_overlayer_lowered:
.L_overlay_start_2:
0x43: {  	(tag) =	ssettag $0x2  }
0x44: {  	s0 =	rddreg [dreg:$0x0];
	s2 =	stileid.u32  }
0x45: {  	s1 =	rddreg [dreg:$0x1];
	p0 =	sne.s32 s2, $0x0  }
0x46: {  	s3 =	rddreg [dreg:$0x2];
	[bflag:$0x3] =	sbarrier.arrive $0xFFFF;
	s2 =	simm.s32 @!p0 $0x1C01  }
0x47: {  	[timem:s3], [sflag:s2] =	dma.local @!p0 [hbm:s0], s1  }
0x48: {  	s0 =	simm.s32 @!p0 $0x1  }
0x49: {  	_ =	swait.ge @!p0 [sflag:s0], s1  }
0x4a: {  	s1 =	ssub.s32 @!p0 $0x0, s1;
	[sflag:s0] =	ssyncset.done @!p0 $0x0  }
0x4b: {  	[sflag:s0] =	ssyncadd.s32 @!p0 s1  }
0x4c: {  	[bflag:$0x3] =	sbarrier.arrive $0xFFFF  }
0x4d: {  	_ =	shalt  }

</sc_bundles>
